<compile_context>
chip_gen: v7x
topology: tpu7x:2x2x1
jax: 0.10.2.dev20260603
libtpu: 0.0.44.dev20260713+nightly
codegen_flags: <defaults>
</compile_context>

<pallas_src>
import functools

import jax
import jax.numpy as jnp
from jax import lax
from jax.experimental import pallas as pl
from jax.experimental.pallas import tpu as pltpu
from jax.experimental.pallas import tpu_sc as plsc

L = 16
U = 8
PASSES = 24

_DNUMS = lax.GatherDimensionNumbers(
    offset_dims=(), collapsed_slice_dims=(0,), start_index_map=(0,))


def _shuffle(v, idx):
    return lax.gather(v, idx[:, None], _DNUMS, (1,),
                      mode=lax.GatherScatterMode.PROMISE_IN_BOUNDS)


def _butterfly(v, op):
    lane = lax.iota(jnp.int32, L)
    for s in (8, 4, 2, 1):
        v = op(v, _shuffle(v, jnp.bitwise_xor(lane, s)))
    return v


def _group_loop(nvr, body, carry):
    def gb(g, c):
        for u in range(U):
            c = body(g * U + u, u, c)
        return c

    return lax.fori_loop(0, nvr // U, gb, carry)


def _row_topk_sum(buf, n, k):
    nvr = n // L
    kf = jnp.float32(k)
    zero_v = jnp.zeros((L,), jnp.float32)

    def mm_body(i, u, carry):
        a = carry[u % 4]
        v = buf[pl.ds(i * L, L)]
        lohi = (jnp.minimum(a[0], v), jnp.maximum(a[1], v))
        return tuple(lohi if j == u % 4 else carry[j] for j in range(4))

    mm = _group_loop(
        nvr, mm_body,
        tuple((jnp.full((L,), jnp.inf, jnp.float32),
               jnp.full((L,), -jnp.inf, jnp.float32)) for _ in range(4)))
    vmin = jnp.minimum(jnp.minimum(mm[0][0], mm[1][0]),
                       jnp.minimum(mm[2][0], mm[3][0]))
    vmax = jnp.maximum(jnp.maximum(mm[0][1], mm[1][1]),
                       jnp.maximum(mm[2][1], mm[3][1]))
    lo = -_butterfly(-vmin, jnp.maximum)[0]
    hi = _butterfly(vmax, jnp.maximum)[0]

    def count_pass(mid):
        def cbody(i, u, carry):
            v = buf[pl.ds(i * L, L)]
            t = jnp.where(v > mid, 1.0, 0.0)
            return tuple(carry[j] + t if j == u % 4 else carry[j]
                         for j in range(4))

        c = _group_loop(nvr, cbody, (zero_v, zero_v, zero_v, zero_v))
        return _butterfly((c[0] + c[1]) + (c[2] + c[3]), jnp.add)[0]

    def pb(_, carry):
        lo, hi = carry
        mid = 0.5 * lo + 0.5 * hi
        ge = count_pass(mid) >= kf
        return jnp.where(ge, mid, lo), jnp.where(ge, hi, mid)

    lo, hi = lax.fori_loop(0, PASSES, pb, (lo, hi))

    def fbody(i, u, carry):
        v = buf[pl.ds(i * L, L)]
        m = v > hi
        t = (carry[u % 4][0] + jnp.where(m, 1.0, 0.0),
             carry[u % 4][1] + jnp.where(m, v, 0.0))
        return tuple(t if j == u % 4 else carry[j] for j in range(4))

    f = _group_loop(nvr, fbody, tuple((zero_v, zero_v) for _ in range(4)))
    c = _butterfly((f[0][0] + f[1][0]) + (f[2][0] + f[3][0]), jnp.add)[0]
    s = _butterfly((f[0][1] + f[1][1]) + (f[2][1] + f[3][1]), jnp.add)[0]
    return s + (kf - c) * hi


def _sc_kernel(rows, cols, k, rows_per_w):
    nc = 2
    mesh = plsc.VectorSubcoreMesh(core_axis_name="c", subcore_axis_name="s")

    @functools.partial(
        pl.kernel,
        out_type=jax.ShapeDtypeStruct((rows // rows_per_w, L), jnp.float32),
        mesh=mesh,
        scratch_types=[
            pltpu.VMEM((cols,), jnp.float32),
            pltpu.VMEM((cols,), jnp.float32),
            pltpu.VMEM((L,), jnp.float32),
            pltpu.SemaphoreType.DMA,
            pltpu.SemaphoreType.DMA,
        ],
    )
    def run(loss_hbm, out_hbm, buf_a, buf_b, out_v, sem_a, sem_b):
        wid = lax.axis_index("s") * nc + lax.axis_index("c")
        lane = lax.iota(jnp.int32, L)
        bufs = (buf_a, buf_b)
        sems = (sem_a, sem_b)
        base = wid * rows_per_w
        copies = [None] * rows_per_w
        copies[0] = pltpu.async_copy(loss_hbm.at[base], buf_a, sem_a)
        total = jnp.float32(0.0)
        for r in range(rows_per_w):
            if r + 1 < rows_per_w:
                copies[r + 1] = pltpu.async_copy(
                    loss_hbm.at[base + r + 1], bufs[(r + 1) % 2],
                    sems[(r + 1) % 2])
            copies[r].wait()
            total = total + _row_topk_sum(bufs[r % 2], cols, k)
        out_v[...] = jnp.where(lane == 0, total, 0.0)
        pltpu.sync_copy(out_v, out_hbm.at[wid])

    return run


def kernel(loss):
    b = loss.shape[0]
    loss2 = loss.reshape(b, -1)
    p = loss2.shape[1]
    k = int(0.25 * p)
    nw = 32
    rows_per_w = b // nw
    partials = _sc_kernel(b, p, k, rows_per_w)(loss2)
    return jnp.sum(partials) / jnp.float32(b * k)

# --- scband reference (transcript-rebuilt; emitter-appended) ---
"""Pipeline reference for scband-hard-negative-mining-25254407701233 (READ-ONLY COPY).

The authoritative reference and input builder live on the scoring server;
editing this copy changes nothing except your own understanding.
"""

import jax, jax.numpy as jnp
import numpy as np

PERC = 0.25

def setup_inputs(seed: int = 0) -> dict:
    key = jax.random.key(seed)
    loss = jax.random.uniform(key, (64, 32768), dtype=jnp.float32)
    return {"loss": loss}

def reference(loss):
    B = loss.shape[0]
    loss2 = loss.reshape(B, -1)
    P = loss2.shape[1]
    k = int(PERC * P)
    vals, _idx = jax.lax.top_k(loss2, k)
    return jnp.mean(vals)

if __name__ == "__main__":
    import jax
    _d = setup_inputs()
    print(jax.jit(kernel)(*tuple(_d.values())))

</pallas_src>

<mosaic_0001>
#map = affine_map<(d0, d1) -> (0, 0)>
module attributes {stable_mosaic.version = 14 : i64} {
  func.func @run(%arg0: i32, %arg1: i32, %arg2: memref<64x32768xf32, #tpu.memory_space<hbm>>, %arg3: memref<32x16xf32, #tpu.memory_space<hbm>>, %arg4: memref<32768xf32, #tpu.memory_space<vmem>>, %arg5: memref<32768xf32, #tpu.memory_space<vmem>>, %arg6: memref<16xf32, #tpu.memory_space<vmem>>, %arg7: memref<!tpu.dma_semaphore, #tpu.memory_space<semaphore_mem>>, %arg8: memref<!tpu.dma_semaphore, #tpu.memory_space<semaphore_mem>>) attributes {dimension_semantics = [#tpu.dimension_semantics<core_parallel>, #tpu.dimension_semantics<subcore_parallel>], iteration_bounds = array<i64: 2, 16>, scalar_prefetch = 0 : i64, scratch_operands = 5 : i64, tpu.core_type = #tpu.core_type<sc_vector_subcore>, window_params = [{transform_indices = #map}, {transform_indices = #map}]} {
    %mul3A = arith.constant 2 : i32
    %mul3A_0 = arith.muli %arg1, %mul3A : i32
    %add3A = arith.addi %mul3A_0, %arg0 : i32
    %iota3A = tpu.iota {dimensions = array<i32: 0>} : vector<16xi32>
    %mul3A_1 = arith.constant 2 : i32
    %mul3A_2 = arith.muli %add3A, %mul3A_1 : i32
    %dma_start3A = arith.constant 0 : i32
    %dma_start3A_3 = tpu.memref_slice %arg2[%mul3A_2, %dma_start3A] : memref<64x32768xf32, #tpu.memory_space<hbm>> -> memref<1x32768xf32, #tpu.memory_space<hbm>>
    %dma_start3A_4 = tpu.memref_squeeze %dma_start3A_3 : memref<1x32768xf32, #tpu.memory_space<hbm>> -> memref<32768xf32, #tpu.memory_space<hbm>>
    %dma_start3A_5 = arith.constant 0 : i32
    %dma_start3A_6 = tpu.memref_slice %arg2[%mul3A_2, %dma_start3A_5] : memref<64x32768xf32, #tpu.memory_space<hbm>> -> memref<1x32768xf32, #tpu.memory_space<hbm>>
    %dma_start3A_7 = tpu.memref_squeeze %dma_start3A_6 : memref<1x32768xf32, #tpu.memory_space<hbm>> -> memref<32768xf32, #tpu.memory_space<hbm>>
    tpu.enqueue_dma source(%dma_start3A_7 : memref<32768xf32, #tpu.memory_space<hbm>>) target(%arg4 : memref<32768xf32, #tpu.memory_space<vmem>>) target_semaphore(%arg7 : memref<!tpu.dma_semaphore, #tpu.memory_space<semaphore_mem>>)
    %add3A_8 = arith.constant 0 : i32
    %add3A_9 = arith.addi %mul3A_2, %add3A_8 : i32
    %add3A_10 = arith.constant 1 : i32
    %add3A_11 = arith.addi %add3A_9, %add3A_10 : i32
    %dma_start3A_12 = arith.constant 0 : i32
    %dma_start3A_13 = tpu.memref_slice %arg2[%add3A_11, %dma_start3A_12] : memref<64x32768xf32, #tpu.memory_space<hbm>> -> memref<1x32768xf32, #tpu.memory_space<hbm>>
    %dma_start3A_14 = tpu.memref_squeeze %dma_start3A_13 : memref<1x32768xf32, #tpu.memory_space<hbm>> -> memref<32768xf32, #tpu.memory_space<hbm>>
    %dma_start3A_15 = arith.constant 0 : i32
    %dma_start3A_16 = tpu.memref_slice %arg2[%add3A_11, %dma_start3A_15] : memref<64x32768xf32, #tpu.memory_space<hbm>> -> memref<1x32768xf32, #tpu.memory_space<hbm>>
    %dma_start3A_17 = tpu.memref_squeeze %dma_start3A_16 : memref<1x32768xf32, #tpu.memory_space<hbm>> -> memref<32768xf32, #tpu.memory_space<hbm>>
    tpu.enqueue_dma source(%dma_start3A_17 : memref<32768xf32, #tpu.memory_space<hbm>>) target(%arg5 : memref<32768xf32, #tpu.memory_space<vmem>>) target_semaphore(%arg8 : memref<!tpu.dma_semaphore, #tpu.memory_space<semaphore_mem>>)
    %dma_wait3A = arith.constant 0 : i32
    %dma_wait3A_18 = tpu.memref_slice %arg2[%mul3A_2, %dma_wait3A] : memref<64x32768xf32, #tpu.memory_space<hbm>> -> memref<1x32768xf32, #tpu.memory_space<hbm>>
    %dma_wait3A_19 = tpu.memref_squeeze %dma_wait3A_18 : memref<1x32768xf32, #tpu.memory_space<hbm>> -> memref<32768xf32, #tpu.memory_space<hbm>>
    %dma_wait3A_20 = arith.constant 0 : i32
    %dma_wait3A_21 = tpu.memref_slice %arg2[%mul3A_2, %dma_wait3A_20] : memref<64x32768xf32, #tpu.memory_space<hbm>> -> memref<1x32768xf32, #tpu.memory_space<hbm>>
    %dma_wait3A_22 = tpu.memref_squeeze %dma_wait3A_21 : memref<1x32768xf32, #tpu.memory_space<hbm>> -> memref<32768xf32, #tpu.memory_space<hbm>>
    tpu.wait_dma2 semaphore(%arg7 : memref<!tpu.dma_semaphore, #tpu.memory_space<semaphore_mem>>) src(%dma_wait3A_22 : memref<32768xf32, #tpu.memory_space<hbm>>) dst(%arg4 : memref<32768xf32, #tpu.memory_space<vmem>>)
    %broadcast_in_dim3A = arith.constant 0.000000e+00 : f32
    %broadcast_in_dim3A_23 = vector.broadcast %broadcast_in_dim3A : f32 to vector<16xf32>
    %broadcast_in_dim3A_24 = arith.constant 0x7F800000 : f32
    %broadcast_in_dim3A_25 = vector.broadcast %broadcast_in_dim3A_24 : f32 to vector<16xf32>
    %broadcast_in_dim3A_26 = arith.constant 0xFF800000 : f32
    %broadcast_in_dim3A_27 = vector.broadcast %broadcast_in_dim3A_26 : f32 to vector<16xf32>
    %broadcast_in_dim3A_28 = arith.constant 0x7F800000 : f32
    %broadcast_in_dim3A_29 = vector.broadcast %broadcast_in_dim3A_28 : f32 to vector<16xf32>
    %broadcast_in_dim3A_30 = arith.constant 0xFF800000 : f32
    %broadcast_in_dim3A_31 = vector.broadcast %broadcast_in_dim3A_30 : f32 to vector<16xf32>
    %broadcast_in_dim3A_32 = arith.constant 0x7F800000 : f32
    %broadcast_in_dim3A_33 = vector.broadcast %broadcast_in_dim3A_32 : f32 to vector<16xf32>
    %broadcast_in_dim3A_34 = arith.constant 0xFF800000 : f32
    %broadcast_in_dim3A_35 = vector.broadcast %broadcast_in_dim3A_34 : f32 to vector<16xf32>
    %broadcast_in_dim3A_36 = arith.constant 0x7F800000 : f32
    %broadcast_in_dim3A_37 = vector.broadcast %broadcast_in_dim3A_36 : f32 to vector<16xf32>
    %broadcast_in_dim3A_38 = arith.constant 0xFF800000 : f32
    %broadcast_in_dim3A_39 = vector.broadcast %broadcast_in_dim3A_38 : f32 to vector<16xf32>
    %scan3A = arith.constant 0 : i32
    %scan3A_40 = arith.constant 256 : i32
    %scan3A_41 = arith.addi %scan3A, %scan3A_40 : i32
    %scan3A_42 = arith.constant 1 : i32
    %scan3A_43:8 = scf.for %scan3A_393 = %scan3A to %scan3A_41 step %scan3A_42 iter_args(%scan3A_394 = %broadcast_in_dim3A_25, %scan3A_395 = %broadcast_in_dim3A_27, %scan3A_396 = %broadcast_in_dim3A_29, %scan3A_397 = %broadcast_in_dim3A_31, %scan3A_398 = %broadcast_in_dim3A_33, %scan3A_399 = %broadcast_in_dim3A_35, %scan3A_400 = %broadcast_in_dim3A_37, %scan3A_401 = %broadcast_in_dim3A_39) -> (vector<16xf32>, vector<16xf32>, vector<16xf32>, vector<16xf32>, vector<16xf32>, vector<16xf32>, vector<16xf32>, vector<16xf32>)  : i32 {
      %mul3A_402 = arith.constant 8 : i32
      %mul3A_403 = arith.muli %scan3A_393, %mul3A_402 : i32
      %add3A_404 = arith.constant 0 : i32
      %add3A_405 = arith.addi %mul3A_403, %add3A_404 : i32
      %mul3A_406 = arith.constant 16 : i32
      %mul3A_407 = arith.muli %add3A_405, %mul3A_406 : i32
      %get3A = arith.index_cast %mul3A_407 : i32 to index
      %get3A_408 = tpu.vector_load %arg4[%get3A] {strides = array<i32>} : memref<32768xf32, #tpu.memory_space<vmem>>, vector<16xf32>,
      %get3A_409 = vector.shape_cast %get3A_408 : vector<16xf32> to vector<16xf32>
      %min3A_410 = arith.minimumf %scan3A_394, %get3A_409 : vector<16xf32>
      %max3A_411 = arith.maximumf %scan3A_395, %get3A_409 : vector<16xf32>
      %mul3A_412 = arith.constant 8 : i32
      %mul3A_413 = arith.muli %scan3A_393, %mul3A_412 : i32
      %add3A_414 = arith.constant 1 : i32
      %add3A_415 = arith.addi %mul3A_413, %add3A_414 : i32
      %mul3A_416 = arith.constant 16 : i32
      %mul3A_417 = arith.muli %add3A_415, %mul3A_416 : i32
      %get3A_418 = arith.index_cast %mul3A_417 : i32 to index
      %get3A_419 = tpu.vector_load %arg4[%get3A_418] {strides = array<i32>} : memref<32768xf32, #tpu.memory_space<vmem>>, vector<16xf32>,
      %get3A_420 = vector.shape_cast %get3A_419 : vector<16xf32> to vector<16xf32>
      %min3A_421 = arith.minimumf %scan3A_396, %get3A_420 : vector<16xf32>
      %max3A_422 = arith.maximumf %scan3A_397, %get3A_420 : vector<16xf32>
      %mul3A_423 = arith.constant 8 : i32
      %mul3A_424 = arith.muli %scan3A_393, %mul3A_423 : i32
      %add3A_425 = arith.constant 2 : i32
      %add3A_426 = arith.addi %mul3A_424, %add3A_425 : i32
      %mul3A_427 = arith.constant 16 : i32
      %mul3A_428 = arith.muli %add3A_426, %mul3A_427 : i32
      %get3A_429 = arith.index_cast %mul3A_428 : i32 to index
      %get3A_430 = tpu.vector_load %arg4[%get3A_429] {strides = array<i32>} : memref<32768xf32, #tpu.memory_space<vmem>>, vector<16xf32>,
      %get3A_431 = vector.shape_cast %get3A_430 : vector<16xf32> to vector<16xf32>
      %min3A_432 = arith.minimumf %scan3A_398, %get3A_431 : vector<16xf32>
      %max3A_433 = arith.maximumf %scan3A_399, %get3A_431 : vector<16xf32>
      %mul3A_434 = arith.constant 8 : i32
      %mul3A_435 = arith.muli %scan3A_393, %mul3A_434 : i32
      %add3A_436 = arith.constant 3 : i32
      %add3A_437 = arith.addi %mul3A_435, %add3A_436 : i32
      %mul3A_438 = arith.constant 16 : i32
      %mul3A_439 = arith.muli %add3A_437, %mul3A_438 : i32
      %get3A_440 = arith.index_cast %mul3A_439 : i32 to index
      %get3A_441 = tpu.vector_load %arg4[%get3A_440] {strides = array<i32>} : memref<32768xf32, #tpu.memory_space<vmem>>, vector<16xf32>,
      %get3A_442 = vector.shape_cast %get3A_441 : vector<16xf32> to vector<16xf32>
      %min3A_443 = arith.minimumf %scan3A_400, %get3A_442 : vector<16xf32>
      %max3A_444 = arith.maximumf %scan3A_401, %get3A_442 : vector<16xf32>
      %mul3A_445 = arith.constant 8 : i32
      %mul3A_446 = arith.muli %scan3A_393, %mul3A_445 : i32
      %add3A_447 = arith.constant 4 : i32
      %add3A_448 = arith.addi %mul3A_446, %add3A_447 : i32
      %mul3A_449 = arith.constant 16 : i32
      %mul3A_450 = arith.muli %add3A_448, %mul3A_449 : i32
      %get3A_451 = arith.index_cast %mul3A_450 : i32 to index
      %get3A_452 = tpu.vector_load %arg4[%get3A_451] {strides = array<i32>} : memref<32768xf32, #tpu.memory_space<vmem>>, vector<16xf32>,
      %get3A_453 = vector.shape_cast %get3A_452 : vector<16xf32> to vector<16xf32>
      %min3A_454 = arith.minimumf %min3A_410, %get3A_453 : vector<16xf32>
      %max3A_455 = arith.maximumf %max3A_411, %get3A_453 : vector<16xf32>
      %mul3A_456 = arith.constant 8 : i32
      %mul3A_457 = arith.muli %scan3A_393, %mul3A_456 : i32
      %add3A_458 = arith.constant 5 : i32
      %add3A_459 = arith.addi %mul3A_457, %add3A_458 : i32
      %mul3A_460 = arith.constant 16 : i32
      %mul3A_461 = arith.muli %add3A_459, %mul3A_460 : i32
      %get3A_462 = arith.index_cast %mul3A_461 : i32 to index
      %get3A_463 = tpu.vector_load %arg4[%get3A_462] {strides = array<i32>} : memref<32768xf32, #tpu.memory_space<vmem>>, vector<16xf32>,
      %get3A_464 = vector.shape_cast %get3A_463 : vector<16xf32> to vector<16xf32>
      %min3A_465 = arith.minimumf %min3A_421, %get3A_464 : vector<16xf32>
      %max3A_466 = arith.maximumf %max3A_422, %get3A_464 : vector<16xf32>
      %mul3A_467 = arith.constant 8 : i32
      %mul3A_468 = arith.muli %scan3A_393, %mul3A_467 : i32
      %add3A_469 = arith.constant 6 : i32
      %add3A_470 = arith.addi %mul3A_468, %add3A_469 : i32
      %mul3A_471 = arith.constant 16 : i32
      %mul3A_472 = arith.muli %add3A_470, %mul3A_471 : i32
      %get3A_473 = arith.index_cast %mul3A_472 : i32 to index
      %get3A_474 = tpu.vector_load %arg4[%get3A_473] {strides = array<i32>} : memref<32768xf32, #tpu.memory_space<vmem>>, vector<16xf32>,
      %get3A_475 = vector.shape_cast %get3A_474 : vector<16xf32> to vector<16xf32>
      %min3A_476 = arith.minimumf %min3A_432, %get3A_475 : vector<16xf32>
      %max3A_477 = arith.maximumf %max3A_433, %get3A_475 : vector<16xf32>
      %mul3A_478 = arith.constant 8 : i32
      %mul3A_479 = arith.muli %scan3A_393, %mul3A_478 : i32
      %add3A_480 = arith.constant 7 : i32
      %add3A_481 = arith.addi %mul3A_479, %add3A_480 : i32
      %mul3A_482 = arith.constant 16 : i32
      %mul3A_483 = arith.muli %add3A_481, %mul3A_482 : i32
      %get3A_484 = arith.index_cast %mul3A_483 : i32 to index
      %get3A_485 = tpu.vector_load %arg4[%get3A_484] {strides = array<i32>} : memref<32768xf32, #tpu.memory_space<vmem>>, vector<16xf32>,
      %get3A_486 = vector.shape_cast %get3A_485 : vector<16xf32> to vector<16xf32>
      %min3A_487 = arith.minimumf %min3A_443, %get3A_486 : vector<16xf32>
      %max3A_488 = arith.maximumf %max3A_444, %get3A_486 : vector<16xf32>
      scf.yield %min3A_454, %max3A_455, %min3A_465, %max3A_466, %min3A_476, %max3A_477, %min3A_487, %max3A_488 : vector<16xf32>, vector<16xf32>, vector<16xf32>, vector<16xf32>, vector<16xf32>, vector<16xf32>, vector<16xf32>, vector<16xf32>
    }
    %scan3A_44 = arith.constant 256 : i32
    %min3A = arith.minimumf %scan3A_43#0, %scan3A_43#2 : vector<16xf32>
    %min3A_45 = arith.minimumf %scan3A_43#4, %scan3A_43#6 : vector<16xf32>
    %min3A_46 = arith.minimumf %min3A, %min3A_45 : vector<16xf32>
    %max3A = arith.maximumf %scan3A_43#1, %scan3A_43#3 : vector<16xf32>
    %max3A_47 = arith.maximumf %scan3A_43#5, %scan3A_43#7 : vector<16xf32>
    %max3A_48 = arith.maximumf %max3A, %max3A_47 : vector<16xf32>
    %neg3A = arith.constant 0.000000e+00 : f32
    %neg3A_49 = vector.broadcast %neg3A : f32 to vector<16xf32>
    %neg3A_50 = arith.subf %neg3A_49, %min3A_46 : vector<16xf32>
    %iota3A_51 = tpu.iota {dimensions = array<i32: 0>} : vector<16xi32>
    %xor3A = arith.constant 8 : i32
    %xor3A_52 = vector.broadcast %xor3A : i32 to vector<16xi32>
    %xor3A_53 = arith.xori %iota3A_51, %xor3A_52 : vector<16xi32>
    %broadcast_in_dim3A_54 = vector.shape_cast %xor3A_53 : vector<16xi32> to vector<16x1xi32>
    %gather3A = vector.shape_cast %broadcast_in_dim3A_54 : vector<16x1xi32> to vector<16xi32>
    %gather3A_55 = tpu.dynamic_gather %neg3A_50[%gather3A] in [0] : vector<16xf32>, vector<16xi32> -> vector<16xf32>
    %max3A_56 = arith.maximumf %neg3A_50, %gather3A_55 : vector<16xf32>
    %xor3A_57 = arith.constant 4 : i32
    %xor3A_58 = vector.broadcast %xor3A_57 : i32 to vector<16xi32>
    %xor3A_59 = arith.xori %iota3A_51, %xor3A_58 : vector<16xi32>
    %broadcast_in_dim3A_60 = vector.shape_cast %xor3A_59 : vector<16xi32> to vector<16x1xi32>
    %gather3A_61 = vector.shape_cast %broadcast_in_dim3A_60 : vector<16x1xi32> to vector<16xi32>
    %gather3A_62 = tpu.dynamic_gather %max3A_56[%gather3A_61] in [0] : vector<16xf32>, vector<16xi32> -> vector<16xf32>
    %max3A_63 = arith.maximumf %max3A_56, %gather3A_62 : vector<16xf32>
    %xor3A_64 = arith.constant 2 : i32
    %xor3A_65 = vector.broadcast %xor3A_64 : i32 to vector<16xi32>
    %xor3A_66 = arith.xori %iota3A_51, %xor3A_65 : vector<16xi32>
    %broadcast_in_dim3A_67 = vector.shape_cast %xor3A_66 : vector<16xi32> to vector<16x1xi32>
    %gather3A_68 = vector.shape_cast %broadcast_in_dim3A_67 : vector<16x1xi32> to vector<16xi32>
    %gather3A_69 = tpu.dynamic_gather %max3A_63[%gather3A_68] in [0] : vector<16xf32>, vector<16xi32> -> vector<16xf32>
    %max3A_70 = arith.maximumf %max3A_63, %gather3A_69 : vector<16xf32>
    %xor3A_71 = arith.constant 1 : i32
    %xor3A_72 = vector.broadcast %xor3A_71 : i32 to vector<16xi32>
    %xor3A_73 = arith.xori %iota3A_51, %xor3A_72 : vector<16xi32>
    %broadcast_in_dim3A_74 = vector.shape_cast %xor3A_73 : vector<16xi32> to vector<16x1xi32>
    %gather3A_75 = vector.shape_cast %broadcast_in_dim3A_74 : vector<16x1xi32> to vector<16xi32>
    %gather3A_76 = tpu.dynamic_gather %max3A_70[%gather3A_75] in [0] : vector<16xf32>, vector<16xi32> -> vector<16xf32>
    %max3A_77 = arith.maximumf %max3A_70, %gather3A_76 : vector<16xf32>
    %slice3A = vector.extract_strided_slice %max3A_77 {offsets = [0], sizes = [1], strides = [1]} : vector<16xf32> to vector<1xf32>
    %squeeze3A = vector.extract %slice3A[0] : f32 from vector<1xf32>
    %neg3A_78 = arith.constant 0.000000e+00 : f32
    %neg3A_79 = arith.subf %neg3A_78, %squeeze3A : f32
    %iota3A_80 = tpu.iota {dimensions = array<i32: 0>} : vector<16xi32>
    %xor3A_81 = arith.constant 8 : i32
    %xor3A_82 = vector.broadcast %xor3A_81 : i32 to vector<16xi32>
    %xor3A_83 = arith.xori %iota3A_80, %xor3A_82 : vector<16xi32>
    %broadcast_in_dim3A_84 = vector.shape_cast %xor3A_83 : vector<16xi32> to vector<16x1xi32>
    %gather3A_85 = vector.shape_cast %broadcast_in_dim3A_84 : vector<16x1xi32> to vector<16xi32>
    %gather3A_86 = tpu.dynamic_gather %max3A_48[%gather3A_85] in [0] : vector<16xf32>, vector<16xi32> -> vector<16xf32>
    %max3A_87 = arith.maximumf %max3A_48, %gather3A_86 : vector<16xf32>
    %xor3A_88 = arith.constant 4 : i32
    %xor3A_89 = vector.broadcast %xor3A_88 : i32 to vector<16xi32>
    %xor3A_90 = arith.xori %iota3A_80, %xor3A_89 : vector<16xi32>
    %broadcast_in_dim3A_91 = vector.shape_cast %xor3A_90 : vector<16xi32> to vector<16x1xi32>
    %gather3A_92 = vector.shape_cast %broadcast_in_dim3A_91 : vector<16x1xi32> to vector<16xi32>
    %gather3A_93 = tpu.dynamic_gather %max3A_87[%gather3A_92] in [0] : vector<16xf32>, vector<16xi32> -> vector<16xf32>
    %max3A_94 = arith.maximumf %max3A_87, %gather3A_93 : vector<16xf32>
    %xor3A_95 = arith.constant 2 : i32
    %xor3A_96 = vector.broadcast %xor3A_95 : i32 to vector<16xi32>
    %xor3A_97 = arith.xori %iota3A_80, %xor3A_96 : vector<16xi32>
    %broadcast_in_dim3A_98 = vector.shape_cast %xor3A_97 : vector<16xi32> to vector<16x1xi32>
    %gather3A_99 = vector.shape_cast %broadcast_in_dim3A_98 : vector<16x1xi32> to vector<16xi32>
    %gather3A_100 = tpu.dynamic_gather %max3A_94[%gather3A_99] in [0] : vector<16xf32>, vector<16xi32> -> vector<16xf32>
    %max3A_101 = arith.maximumf %max3A_94, %gather3A_100 : vector<16xf32>
    %xor3A_102 = arith.constant 1 : i32
    %xor3A_103 = vector.broadcast %xor3A_102 : i32 to vector<16xi32>
    %xor3A_104 = arith.xori %iota3A_80, %xor3A_103 : vector<16xi32>
    %broadcast_in_dim3A_105 = vector.shape_cast %xor3A_104 : vector<16xi32> to vector<16x1xi32>
    %gather3A_106 = vector.shape_cast %broadcast_in_dim3A_105 : vector<16x1xi32> to vector<16xi32>
    %gather3A_107 = tpu.dynamic_gather %max3A_101[%gather3A_106] in [0] : vector<16xf32>, vector<16xi32> -> vector<16xf32>
    %max3A_108 = arith.maximumf %max3A_101, %gather3A_107 : vector<16xf32>
    %slice3A_109 = vector.extract_strided_slice %max3A_108 {offsets = [0], sizes = [1], strides = [1]} : vector<16xf32> to vector<1xf32>
    %squeeze3A_110 = vector.extract %slice3A_109[0] : f32 from vector<1xf32>
    %scan3A_111 = arith.constant 8.192000e+03 : f32
    %scan3A_112 = arith.constant 0 : i32
    %scan3A_113 = arith.constant 24 : i32
    %scan3A_114 = arith.addi %scan3A_112, %scan3A_113 : i32
    %scan3A_115 = arith.constant 1 : i32
    %scan3A_116:2 = scf.for %scan3A_393 = %scan3A_112 to %scan3A_114 step %scan3A_115 iter_args(%scan3A_394 = %neg3A_79, %scan3A_395 = %squeeze3A_110) -> (f32, f32)  : i32 {
      %mul3A_396 = arith.constant 5.000000e-01 : f32
      %mul3A_397 = arith.mulf %mul3A_396, %scan3A_394 : f32
      %mul3A_398 = arith.constant 5.000000e-01 : f32
      %mul3A_399 = arith.mulf %mul3A_398, %scan3A_395 : f32
      %add3A_400 = arith.addf %mul3A_397, %mul3A_399 : f32
      %scan3A_401 = arith.constant 0 : i32
      %scan3A_402 = arith.constant 256 : i32
      %scan3A_403 = arith.addi %scan3A_401, %scan3A_402 : i32
      %scan3A_404 = arith.constant 1 : i32
      %scan3A_405:4 = scf.for %scan3A_443 = %scan3A_401 to %scan3A_403 step %scan3A_404 iter_args(%scan3A_444 = %broadcast_in_dim3A_23, %scan3A_445 = %broadcast_in_dim3A_23, %scan3A_446 = %broadcast_in_dim3A_23, %scan3A_447 = %broadcast_in_dim3A_23) -> (vector<16xf32>, vector<16xf32>, vector<16xf32>, vector<16xf32>)  : i32 {
        %mul3A_448 = arith.constant 8 : i32
        %mul3A_449 = arith.muli %scan3A_443, %mul3A_448 : i32
        %add3A_450 = arith.constant 0 : i32
        %add3A_451 = arith.addi %mul3A_449, %add3A_450 : i32
        %mul3A_452 = arith.constant 16 : i32
        %mul3A_453 = arith.muli %add3A_451, %mul3A_452 : i32
        %get3A = arith.index_cast %mul3A_453 : i32 to index
        %get3A_454 = tpu.vector_load %arg4[%get3A] {strides = array<i32>} : memref<32768xf32, #tpu.memory_space<vmem>>, vector<16xf32>,
        %get3A_455 = vector.shape_cast %get3A_454 : vector<16xf32> to vector<16xf32>
        %gt3A = vector.broadcast %add3A_400 : f32 to vector<16xf32>
        %gt3A_456 = arith.cmpf ogt, %get3A_455, %gt3A : vector<16xf32>
        %jit3A_457 = arith.constant 1.000000e+00 : f32
        %jit3A_458 = arith.constant 0.000000e+00 : f32
        %broadcast_in_dim3A_459 = vector.broadcast %jit3A_457 : f32 to vector<16xf32>
        %broadcast_in_dim3A_460 = vector.broadcast %jit3A_458 : f32 to vector<16xf32>
        %select_n3A_461 = arith.select %gt3A_456, %broadcast_in_dim3A_459, %broadcast_in_dim3A_460 : vector<16xi1>, vector<16xf32>
        %add3A_462 = arith.addf %scan3A_444, %select_n3A_461 : vector<16xf32>
        %mul3A_463 = arith.constant 8 : i32
        %mul3A_464 = arith.muli %scan3A_443, %mul3A_463 : i32
        %add3A_465 = arith.constant 1 : i32
        %add3A_466 = arith.addi %mul3A_464, %add3A_465 : i32
        %mul3A_467 = arith.constant 16 : i32
        %mul3A_468 = arith.muli %add3A_466, %mul3A_467 : i32
        %get3A_469 = arith.index_cast %mul3A_468 : i32 to index
        %get3A_470 = tpu.vector_load %arg4[%get3A_469] {strides = array<i32>} : memref<32768xf32, #tpu.memory_space<vmem>>, vector<16xf32>,
        %get3A_471 = vector.shape_cast %get3A_470 : vector<16xf32> to vector<16xf32>
        %gt3A_472 = vector.broadcast %add3A_400 : f32 to vector<16xf32>
        %gt3A_473 = arith.cmpf ogt, %get3A_471, %gt3A_472 : vector<16xf32>
        %jit3A_474 = arith.constant 1.000000e+00 : f32
        %jit3A_475 = arith.constant 0.000000e+00 : f32
        %broadcast_in_dim3A_476 = vector.broadcast %jit3A_474 : f32 to vector<16xf32>
        %broadcast_in_dim3A_477 = vector.broadcast %jit3A_475 : f32 to vector<16xf32>
        %select_n3A_478 = arith.select %gt3A_473, %broadcast_in_dim3A_476, %broadcast_in_dim3A_477 : vector<16xi1>, vector<16xf32>
        %add3A_479 = arith.addf %scan3A_445, %select_n3A_478 : vector<16xf32>
        %mul3A_480 = arith.constant 8 : i32
        %mul3A_481 = arith.muli %scan3A_443, %mul3A_480 : i32
        %add3A_482 = arith.constant 2 : i32
        %add3A_483 = arith.addi %mul3A_481, %add3A_482 : i32
        %mul3A_484 = arith.constant 16 : i32
        %mul3A_485 = arith.muli %add3A_483, %mul3A_484 : i32
        %get3A_486 = arith.index_cast %mul3A_485 : i32 to index
        %get3A_487 = tpu.vector_load %arg4[%get3A_486] {strides = array<i32>} : memref<32768xf32, #tpu.memory_space<vmem>>, vector<16xf32>,
        %get3A_488 = vector.shape_cast %get3A_487 : vector<16xf32> to vector<16xf32>
        %gt3A_489 = vector.broadcast %add3A_400 : f32 to vector<16xf32>
        %gt3A_490 = arith.cmpf ogt, %get3A_488, %gt3A_489 : vector<16xf32>
        %jit3A_491 = arith.constant 1.000000e+00 : f32
        %jit3A_492 = arith.constant 0.000000e+00 : f32
        %broadcast_in_dim3A_493 = vector.broadcast %jit3A_491 : f32 to vector<16xf32>
        %broadcast_in_dim3A_494 = vector.broadcast %jit3A_492 : f32 to vector<16xf32>
        %select_n3A_495 = arith.select %gt3A_490, %broadcast_in_dim3A_493, %broadcast_in_dim3A_494 : vector<16xi1>, vector<16xf32>
        %add3A_496 = arith.addf %scan3A_446, %select_n3A_495 : vector<16xf32>
        %mul3A_497 = arith.constant 8 : i32
        %mul3A_498 = arith.muli %scan3A_443, %mul3A_497 : i32
        %add3A_499 = arith.constant 3 : i32
        %add3A_500 = arith.addi %mul3A_498, %add3A_499 : i32
        %mul3A_501 = arith.constant 16 : i32
        %mul3A_502 = arith.muli %add3A_500, %mul3A_501 : i32
        %get3A_503 = arith.index_cast %mul3A_502 : i32 to index
        %get3A_504 = tpu.vector_load %arg4[%get3A_503] {strides = array<i32>} : memref<32768xf32, #tpu.memory_space<vmem>>, vector<16xf32>,
        %get3A_505 = vector.shape_cast %get3A_504 : vector<16xf32> to vector<16xf32>
        %gt3A_506 = vector.broadcast %add3A_400 : f32 to vector<16xf32>
        %gt3A_507 = arith.cmpf ogt, %get3A_505, %gt3A_506 : vector<16xf32>
        %jit3A_508 = arith.constant 1.000000e+00 : f32
        %jit3A_509 = arith.constant 0.000000e+00 : f32
        %broadcast_in_dim3A_510 = vector.broadcast %jit3A_508 : f32 to vector<16xf32>
        %broadcast_in_dim3A_511 = vector.broadcast %jit3A_509 : f32 to vector<16xf32>
        %select_n3A_512 = arith.select %gt3A_507, %broadcast_in_dim3A_510, %broadcast_in_dim3A_511 : vector<16xi1>, vector<16xf32>
        %add3A_513 = arith.addf %scan3A_447, %select_n3A_512 : vector<16xf32>
        %mul3A_514 = arith.constant 8 : i32
        %mul3A_515 = arith.muli %scan3A_443, %mul3A_514 : i32
        %add3A_516 = arith.constant 4 : i32
        %add3A_517 = arith.addi %mul3A_515, %add3A_516 : i32
        %mul3A_518 = arith.constant 16 : i32
        %mul3A_519 = arith.muli %add3A_517, %mul3A_518 : i32
        %get3A_520 = arith.index_cast %mul3A_519 : i32 to index
        %get3A_521 = tpu.vector_load %arg4[%get3A_520] {strides = array<i32>} : memref<32768xf32, #tpu.memory_space<vmem>>, vector<16xf32>,
        %get3A_522 = vector.shape_cast %get3A_521 : vector<16xf32> to vector<16xf32>
        %gt3A_523 = vector.broadcast %add3A_400 : f32 to vector<16xf32>
        %gt3A_524 = arith.cmpf ogt, %get3A_522, %gt3A_523 : vector<16xf32>
        %jit3A_525 = arith.constant 1.000000e+00 : f32
        %jit3A_526 = arith.constant 0.000000e+00 : f32
        %broadcast_in_dim3A_527 = vector.broadcast %jit3A_525 : f32 to vector<16xf32>
        %broadcast_in_dim3A_528 = vector.broadcast %jit3A_526 : f32 to vector<16xf32>
        %select_n3A_529 = arith.select %gt3A_524, %broadcast_in_dim3A_527, %broadcast_in_dim3A_528 : vector<16xi1>, vector<16xf32>
        %add3A_530 = arith.addf %add3A_462, %select_n3A_529 : vector<16xf32>
        %mul3A_531 = arith.constant 8 : i32
        %mul3A_532 = arith.muli %scan3A_443, %mul3A_531 : i32
        %add3A_533 = arith.constant 5 : i32
        %add3A_534 = arith.addi %mul3A_532, %add3A_533 : i32
        %mul3A_535 = arith.constant 16 : i32
        %mul3A_536 = arith.muli %add3A_534, %mul3A_535 : i32
        %get3A_537 = arith.index_cast %mul3A_536 : i32 to index
        %get3A_538 = tpu.vector_load %arg4[%get3A_537] {strides = array<i32>} : memref<32768xf32, #tpu.memory_space<vmem>>, vector<16xf32>,
        %get3A_539 = vector.shape_cast %get3A_538 : vector<16xf32> to vector<16xf32>
        %gt3A_540 = vector.broadcast %add3A_400 : f32 to vector<16xf32>
        %gt3A_541 = arith.cmpf ogt, %get3A_539, %gt3A_540 : vector<16xf32>
        %jit3A_542 = arith.constant 1.000000e+00 : f32
        %jit3A_543 = arith.constant 0.000000e+00 : f32
        %broadcast_in_dim3A_544 = vector.broadcast %jit3A_542 : f32 to vector<16xf32>
        %broadcast_in_dim3A_545 = vector.broadcast %jit3A_543 : f32 to vector<16xf32>
        %select_n3A_546 = arith.select %gt3A_541, %broadcast_in_dim3A_544, %broadcast_in_dim3A_545 : vector<16xi1>, vector<16xf32>
        %add3A_547 = arith.addf %add3A_479, %select_n3A_546 : vector<16xf32>
        %mul3A_548 = arith.constant 8 : i32
        %mul3A_549 = arith.muli %scan3A_443, %mul3A_548 : i32
        %add3A_550 = arith.constant 6 : i32
        %add3A_551 = arith.addi %mul3A_549, %add3A_550 : i32
        %mul3A_552 = arith.constant 16 : i32
        %mul3A_553 = arith.muli %add3A_551, %mul3A_552 : i32
        %get3A_554 = arith.index_cast %mul3A_553 : i32 to index
        %get3A_555 = tpu.vector_load %arg4[%get3A_554] {strides = array<i32>} : memref<32768xf32, #tpu.memory_space<vmem>>, vector<16xf32>,
        %get3A_556 = vector.shape_cast %get3A_555 : vector<16xf32> to vector<16xf32>
        %gt3A_557 = vector.broadcast %add3A_400 : f32 to vector<16xf32>
        %gt3A_558 = arith.cmpf ogt, %get3A_556, %gt3A_557 : vector<16xf32>
        %jit3A_559 = arith.constant 1.000000e+00 : f32
        %jit3A_560 = arith.constant 0.000000e+00 : f32
        %broadcast_in_dim3A_561 = vector.broadcast %jit3A_559 : f32 to vector<16xf32>
        %broadcast_in_dim3A_562 = vector.broadcast %jit3A_560 : f32 to vector<16xf32>
        %select_n3A_563 = arith.select %gt3A_558, %broadcast_in_dim3A_561, %broadcast_in_dim3A_562 : vector<16xi1>, vector<16xf32>
        %add3A_564 = arith.addf %add3A_496, %select_n3A_563 : vector<16xf32>
        %mul3A_565 = arith.constant 8 : i32
        %mul3A_566 = arith.muli %scan3A_443, %mul3A_565 : i32
        %add3A_567 = arith.constant 7 : i32
        %add3A_568 = arith.addi %mul3A_566, %add3A_567 : i32
        %mul3A_569 = arith.constant 16 : i32
        %mul3A_570 = arith.muli %add3A_568, %mul3A_569 : i32
        %get3A_571 = arith.index_cast %mul3A_570 : i32 to index
        %get3A_572 = tpu.vector_load %arg4[%get3A_571] {strides = array<i32>} : memref<32768xf32, #tpu.memory_space<vmem>>, vector<16xf32>,
        %get3A_573 = vector.shape_cast %get3A_572 : vector<16xf32> to vector<16xf32>
        %gt3A_574 = vector.broadcast %add3A_400 : f32 to vector<16xf32>
        %gt3A_575 = arith.cmpf ogt, %get3A_573, %gt3A_574 : vector<16xf32>
        %jit3A_576 = arith.constant 1.000000e+00 : f32
        %jit3A_577 = arith.constant 0.000000e+00 : f32
        %broadcast_in_dim3A_578 = vector.broadcast %jit3A_576 : f32 to vector<16xf32>
        %broadcast_in_dim3A_579 = vector.broadcast %jit3A_577 : f32 to vector<16xf32>
        %select_n3A_580 = arith.select %gt3A_575, %broadcast_in_dim3A_578, %broadcast_in_dim3A_579 : vector<16xi1>, vector<16xf32>
        %add3A_581 = arith.addf %add3A_513, %select_n3A_580 : vector<16xf32>
        scf.yield %add3A_530, %add3A_547, %add3A_564, %add3A_581 : vector<16xf32>, vector<16xf32>, vector<16xf32>, vector<16xf32>
      }
      %scan3A_406 = arith.constant 256 : i32
      %add3A_407 = arith.addf %scan3A_405#0, %scan3A_405#1 : vector<16xf32>
      %add3A_408 = arith.addf %scan3A_405#2, %scan3A_405#3 : vector<16xf32>
      %add3A_409 = arith.addf %add3A_407, %add3A_408 : vector<16xf32>
      %iota3A_410 = tpu.iota {dimensions = array<i32: 0>} : vector<16xi32>
      %xor3A_411 = arith.constant 8 : i32
      %xor3A_412 = vector.broadcast %xor3A_411 : i32 to vector<16xi32>
      %xor3A_413 = arith.xori %iota3A_410, %xor3A_412 : vector<16xi32>
      %broadcast_in_dim3A_414 = vector.shape_cast %xor3A_413 : vector<16xi32> to vector<16x1xi32>
      %gather3A_415 = vector.shape_cast %broadcast_in_dim3A_414 : vector<16x1xi32> to vector<16xi32>
      %gather3A_416 = tpu.dynamic_gather %add3A_409[%gather3A_415] in [0] : vector<16xf32>, vector<16xi32> -> vector<16xf32>
      %add3A_417 = arith.addf %add3A_409, %gather3A_416 : vector<16xf32>
      %xor3A_418 = arith.constant 4 : i32
      %xor3A_419 = vector.broadcast %xor3A_418 : i32 to vector<16xi32>
      %xor3A_420 = arith.xori %iota3A_410, %xor3A_419 : vector<16xi32>
      %broadcast_in_dim3A_421 = vector.shape_cast %xor3A_420 : vector<16xi32> to vector<16x1xi32>
      %gather3A_422 = vector.shape_cast %broadcast_in_dim3A_421 : vector<16x1xi32> to vector<16xi32>
      %gather3A_423 = tpu.dynamic_gather %add3A_417[%gather3A_422] in [0] : vector<16xf32>, vector<16xi32> -> vector<16xf32>
      %add3A_424 = arith.addf %add3A_417, %gather3A_423 : vector<16xf32>
      %xor3A_425 = arith.constant 2 : i32
      %xor3A_426 = vector.broadcast %xor3A_425 : i32 to vector<16xi32>
      %xor3A_427 = arith.xori %iota3A_410, %xor3A_426 : vector<16xi32>
      %broadcast_in_dim3A_428 = vector.shape_cast %xor3A_427 : vector<16xi32> to vector<16x1xi32>
      %gather3A_429 = vector.shape_cast %broadcast_in_dim3A_428 : vector<16x1xi32> to vector<16xi32>
      %gather3A_430 = tpu.dynamic_gather %add3A_424[%gather3A_429] in [0] : vector<16xf32>, vector<16xi32> -> vector<16xf32>
      %add3A_431 = arith.addf %add3A_424, %gather3A_430 : vector<16xf32>
      %xor3A_432 = arith.constant 1 : i32
      %xor3A_433 = vector.broadcast %xor3A_432 : i32 to vector<16xi32>
      %xor3A_434 = arith.xori %iota3A_410, %xor3A_433 : vector<16xi32>
      %broadcast_in_dim3A_435 = vector.shape_cast %xor3A_434 : vector<16xi32> to vector<16x1xi32>
      %gather3A_436 = vector.shape_cast %broadcast_in_dim3A_435 : vector<16x1xi32> to vector<16xi32>
      %gather3A_437 = tpu.dynamic_gather %add3A_431[%gather3A_436] in [0] : vector<16xf32>, vector<16xi32> -> vector<16xf32>
      %add3A_438 = arith.addf %add3A_431, %gather3A_437 : vector<16xf32>
      %slice3A_439 = vector.extract_strided_slice %add3A_438 {offsets = [0], sizes = [1], strides = [1]} : vector<16xf32> to vector<1xf32>
      %squeeze3A_440 = vector.extract %slice3A_439[0] : f32 from vector<1xf32>
      %ge3A = arith.cmpf oge, %squeeze3A_440, %scan3A_111 : f32
      %select_n3A_441 = arith.select %ge3A, %add3A_400, %scan3A_394 : f32
      %select_n3A_442 = arith.select %ge3A, %scan3A_395, %add3A_400 : f32
      scf.yield %select_n3A_441, %select_n3A_442 : f32, f32
    }
    %scan3A_117 = arith.constant 24 : i32
    %scan3A_118 = arith.constant 0 : i32
    %scan3A_119 = arith.constant 256 : i32
    %scan3A_120 = arith.addi %scan3A_118, %scan3A_119 : i32
    %scan3A_121 = arith.constant 1 : i32
    %scan3A_122:8 = scf.for %scan3A_393 = %scan3A_118 to %scan3A_120 step %scan3A_121 iter_args(%scan3A_394 = %broadcast_in_dim3A_23, %scan3A_395 = %broadcast_in_dim3A_23, %scan3A_396 = %broadcast_in_dim3A_23, %scan3A_397 = %broadcast_in_dim3A_23, %scan3A_398 = %broadcast_in_dim3A_23, %scan3A_399 = %broadcast_in_dim3A_23, %scan3A_400 = %broadcast_in_dim3A_23, %scan3A_401 = %broadcast_in_dim3A_23) -> (vector<16xf32>, vector<16xf32>, vector<16xf32>, vector<16xf32>, vector<16xf32>, vector<16xf32>, vector<16xf32>, vector<16xf32>)  : i32 {
      %mul3A_402 = arith.constant 8 : i32
      %mul3A_403 = arith.muli %scan3A_393, %mul3A_402 : i32
      %add3A_404 = arith.constant 0 : i32
      %add3A_405 = arith.addi %mul3A_403, %add3A_404 : i32
      %mul3A_406 = arith.constant 16 : i32
      %mul3A_407 = arith.muli %add3A_405, %mul3A_406 : i32
      %get3A = arith.index_cast %mul3A_407 : i32 to index
      %get3A_408 = tpu.vector_load %arg4[%get3A] {strides = array<i32>} : memref<32768xf32, #tpu.memory_space<vmem>>, vector<16xf32>,
      %get3A_409 = vector.shape_cast %get3A_408 : vector<16xf32> to vector<16xf32>
      %gt3A = vector.broadcast %scan3A_116#1 : f32 to vector<16xf32>
      %gt3A_410 = arith.cmpf ogt, %get3A_409, %gt3A : vector<16xf32>
      %jit3A_411 = arith.constant 1.000000e+00 : f32
      %jit3A_412 = arith.constant 0.000000e+00 : f32
      %broadcast_in_dim3A_413 = vector.broadcast %jit3A_411 : f32 to vector<16xf32>
      %broadcast_in_dim3A_414 = vector.broadcast %jit3A_412 : f32 to vector<16xf32>
      %select_n3A_415 = arith.select %gt3A_410, %broadcast_in_dim3A_413, %broadcast_in_dim3A_414 : vector<16xi1>, vector<16xf32>
      %add3A_416 = arith.addf %scan3A_394, %select_n3A_415 : vector<16xf32>
      %jit3A_417 = arith.constant 0.000000e+00 : f32
      %broadcast_in_dim3A_418 = vector.broadcast %jit3A_417 : f32 to vector<16xf32>
      %select_n3A_419 = arith.select %gt3A_410, %get3A_409, %broadcast_in_dim3A_418 : vector<16xi1>, vector<16xf32>
      %add3A_420 = arith.addf %scan3A_395, %select_n3A_419 : vector<16xf32>
      %mul3A_421 = arith.constant 8 : i32
      %mul3A_422 = arith.muli %scan3A_393, %mul3A_421 : i32
      %add3A_423 = arith.constant 1 : i32
      %add3A_424 = arith.addi %mul3A_422, %add3A_423 : i32
      %mul3A_425 = arith.constant 16 : i32
      %mul3A_426 = arith.muli %add3A_424, %mul3A_425 : i32
      %get3A_427 = arith.index_cast %mul3A_426 : i32 to index
      %get3A_428 = tpu.vector_load %arg4[%get3A_427] {strides = array<i32>} : memref<32768xf32, #tpu.memory_space<vmem>>, vector<16xf32>,
      %get3A_429 = vector.shape_cast %get3A_428 : vector<16xf32> to vector<16xf32>
      %gt3A_430 = vector.broadcast %scan3A_116#1 : f32 to vector<16xf32>
      %gt3A_431 = arith.cmpf ogt, %get3A_429, %gt3A_430 : vector<16xf32>
      %jit3A_432 = arith.constant 1.000000e+00 : f32
      %jit3A_433 = arith.constant 0.000000e+00 : f32
      %broadcast_in_dim3A_434 = vector.broadcast %jit3A_432 : f32 to vector<16xf32>
      %broadcast_in_dim3A_435 = vector.broadcast %jit3A_433 : f32 to vector<16xf32>
      %select_n3A_436 = arith.select %gt3A_431, %broadcast_in_dim3A_434, %broadcast_in_dim3A_435 : vector<16xi1>, vector<16xf32>
      %add3A_437 = arith.addf %scan3A_396, %select_n3A_436 : vector<16xf32>
      %jit3A_438 = arith.constant 0.000000e+00 : f32
      %broadcast_in_dim3A_439 = vector.broadcast %jit3A_438 : f32 to vector<16xf32>
      %select_n3A_440 = arith.select %gt3A_431, %get3A_429, %broadcast_in_dim3A_439 : vector<16xi1>, vector<16xf32>
      %add3A_441 = arith.addf %scan3A_397, %select_n3A_440 : vector<16xf32>
      %mul3A_442 = arith.constant 8 : i32
      %mul3A_443 = arith.muli %scan3A_393, %mul3A_442 : i32
      %add3A_444 = arith.constant 2 : i32
      %add3A_445 = arith.addi %mul3A_443, %add3A_444 : i32
      %mul3A_446 = arith.constant 16 : i32
      %mul3A_447 = arith.muli %add3A_445, %mul3A_446 : i32
      %get3A_448 = arith.index_cast %mul3A_447 : i32 to index
      %get3A_449 = tpu.vector_load %arg4[%get3A_448] {strides = array<i32>} : memref<32768xf32, #tpu.memory_space<vmem>>, vector<16xf32>,
      %get3A_450 = vector.shape_cast %get3A_449 : vector<16xf32> to vector<16xf32>
      %gt3A_451 = vector.broadcast %scan3A_116#1 : f32 to vector<16xf32>
      %gt3A_452 = arith.cmpf ogt, %get3A_450, %gt3A_451 : vector<16xf32>
      %jit3A_453 = arith.constant 1.000000e+00 : f32
      %jit3A_454 = arith.constant 0.000000e+00 : f32
      %broadcast_in_dim3A_455 = vector.broadcast %jit3A_453 : f32 to vector<16xf32>
      %broadcast_in_dim3A_456 = vector.broadcast %jit3A_454 : f32 to vector<16xf32>
      %select_n3A_457 = arith.select %gt3A_452, %broadcast_in_dim3A_455, %broadcast_in_dim3A_456 : vector<16xi1>, vector<16xf32>
      %add3A_458 = arith.addf %scan3A_398, %select_n3A_457 : vector<16xf32>
      %jit3A_459 = arith.constant 0.000000e+00 : f32
      %broadcast_in_dim3A_460 = vector.broadcast %jit3A_459 : f32 to vector<16xf32>
      %select_n3A_461 = arith.select %gt3A_452, %get3A_450, %broadcast_in_dim3A_460 : vector<16xi1>, vector<16xf32>
      %add3A_462 = arith.addf %scan3A_399, %select_n3A_461 : vector<16xf32>
      %mul3A_463 = arith.constant 8 : i32
      %mul3A_464 = arith.muli %scan3A_393, %mul3A_463 : i32
      %add3A_465 = arith.constant 3 : i32
      %add3A_466 = arith.addi %mul3A_464, %add3A_465 : i32
      %mul3A_467 = arith.constant 16 : i32
      %mul3A_468 = arith.muli %add3A_466, %mul3A_467 : i32
      %get3A_469 = arith.index_cast %mul3A_468 : i32 to index
      %get3A_470 = tpu.vector_load %arg4[%get3A_469] {strides = array<i32>} : memref<32768xf32, #tpu.memory_space<vmem>>, vector<16xf32>,
      %get3A_471 = vector.shape_cast %get3A_470 : vector<16xf32> to vector<16xf32>
      %gt3A_472 = vector.broadcast %scan3A_116#1 : f32 to vector<16xf32>
      %gt3A_473 = arith.cmpf ogt, %get3A_471, %gt3A_472 : vector<16xf32>
      %jit3A_474 = arith.constant 1.000000e+00 : f32
      %jit3A_475 = arith.constant 0.000000e+00 : f32
      %broadcast_in_dim3A_476 = vector.broadcast %jit3A_474 : f32 to vector<16xf32>
      %broadcast_in_dim3A_477 = vector.broadcast %jit3A_475 : f32 to vector<16xf32>
      %select_n3A_478 = arith.select %gt3A_473, %broadcast_in_dim3A_476, %broadcast_in_dim3A_477 : vector<16xi1>, vector<16xf32>
      %add3A_479 = arith.addf %scan3A_400, %select_n3A_478 : vector<16xf32>
      %jit3A_480 = arith.constant 0.000000e+00 : f32
      %broadcast_in_dim3A_481 = vector.broadcast %jit3A_480 : f32 to vector<16xf32>
      %select_n3A_482 = arith.select %gt3A_473, %get3A_471, %broadcast_in_dim3A_481 : vector<16xi1>, vector<16xf32>
      %add3A_483 = arith.addf %scan3A_401, %select_n3A_482 : vector<16xf32>
      %mul3A_484 = arith.constant 8 : i32
      %mul3A_485 = arith.muli %scan3A_393, %mul3A_484 : i32
      %add3A_486 = arith.constant 4 : i32
      %add3A_487 = arith.addi %mul3A_485, %add3A_486 : i32
      %mul3A_488 = arith.constant 16 : i32
      %mul3A_489 = arith.muli %add3A_487, %mul3A_488 : i32
      %get3A_490 = arith.index_cast %mul3A_489 : i32 to index
      %get3A_491 = tpu.vector_load %arg4[%get3A_490] {strides = array<i32>} : memref<32768xf32, #tpu.memory_space<vmem>>, vector<16xf32>,
      %get3A_492 = vector.shape_cast %get3A_491 : vector<16xf32> to vector<16xf32>
      %gt3A_493 = vector.broadcast %scan3A_116#1 : f32 to vector<16xf32>
      %gt3A_494 = arith.cmpf ogt, %get3A_492, %gt3A_493 : vector<16xf32>
      %jit3A_495 = arith.constant 1.000000e+00 : f32
      %jit3A_496 = arith.constant 0.000000e+00 : f32
      %broadcast_in_dim3A_497 = vector.broadcast %jit3A_495 : f32 to vector<16xf32>
      %broadcast_in_dim3A_498 = vector.broadcast %jit3A_496 : f32 to vector<16xf32>
      %select_n3A_499 = arith.select %gt3A_494, %broadcast_in_dim3A_497, %broadcast_in_dim3A_498 : vector<16xi1>, vector<16xf32>
      %add3A_500 = arith.addf %add3A_416, %select_n3A_499 : vector<16xf32>
      %jit3A_501 = arith.constant 0.000000e+00 : f32
      %broadcast_in_dim3A_502 = vector.broadcast %jit3A_501 : f32 to vector<16xf32>
      %select_n3A_503 = arith.select %gt3A_494, %get3A_492, %broadcast_in_dim3A_502 : vector<16xi1>, vector<16xf32>
      %add3A_504 = arith.addf %add3A_420, %select_n3A_503 : vector<16xf32>
      %mul3A_505 = arith.constant 8 : i32
      %mul3A_506 = arith.muli %scan3A_393, %mul3A_505 : i32
      %add3A_507 = arith.constant 5 : i32
      %add3A_508 = arith.addi %mul3A_506, %add3A_507 : i32
      %mul3A_509 = arith.constant 16 : i32
      %mul3A_510 = arith.muli %add3A_508, %mul3A_509 : i32
      %get3A_511 = arith.index_cast %mul3A_510 : i32 to index
      %get3A_512 = tpu.vector_load %arg4[%get3A_511] {strides = array<i32>} : memref<32768xf32, #tpu.memory_space<vmem>>, vector<16xf32>,
      %get3A_513 = vector.shape_cast %get3A_512 : vector<16xf32> to vector<16xf32>
      %gt3A_514 = vector.broadcast %scan3A_116#1 : f32 to vector<16xf32>
      %gt3A_515 = arith.cmpf ogt, %get3A_513, %gt3A_514 : vector<16xf32>
      %jit3A_516 = arith.constant 1.000000e+00 : f32
      %jit3A_517 = arith.constant 0.000000e+00 : f32
      %broadcast_in_dim3A_518 = vector.broadcast %jit3A_516 : f32 to vector<16xf32>
      %broadcast_in_dim3A_519 = vector.broadcast %jit3A_517 : f32 to vector<16xf32>
      %select_n3A_520 = arith.select %gt3A_515, %broadcast_in_dim3A_518, %broadcast_in_dim3A_519 : vector<16xi1>, vector<16xf32>
      %add3A_521 = arith.addf %add3A_437, %select_n3A_520 : vector<16xf32>
      %jit3A_522 = arith.constant 0.000000e+00 : f32
      %broadcast_in_dim3A_523 = vector.broadcast %jit3A_522 : f32 to vector<16xf32>
      %select_n3A_524 = arith.select %gt3A_515, %get3A_513, %broadcast_in_dim3A_523 : vector<16xi1>, vector<16xf32>
      %add3A_525 = arith.addf %add3A_441, %select_n3A_524 : vector<16xf32>
      %mul3A_526 = arith.constant 8 : i32
      %mul3A_527 = arith.muli %scan3A_393, %mul3A_526 : i32
      %add3A_528 = arith.constant 6 : i32
      %add3A_529 = arith.addi %mul3A_527, %add3A_528 : i32
      %mul3A_530 = arith.constant 16 : i32
      %mul3A_531 = arith.muli %add3A_529, %mul3A_530 : i32
      %get3A_532 = arith.index_cast %mul3A_531 : i32 to index
      %get3A_533 = tpu.vector_load %arg4[%get3A_532] {strides = array<i32>} : memref<32768xf32, #tpu.memory_space<vmem>>, vector<16xf32>,
      %get3A_534 = vector.shape_cast %get3A_533 : vector<16xf32> to vector<16xf32>
      %gt3A_535 = vector.broadcast %scan3A_116#1 : f32 to vector<16xf32>
      %gt3A_536 = arith.cmpf ogt, %get3A_534, %gt3A_535 : vector<16xf32>
      %jit3A_537 = arith.constant 1.000000e+00 : f32
      %jit3A_538 = arith.constant 0.000000e+00 : f32
      %broadcast_in_dim3A_539 = vector.broadcast %jit3A_537 : f32 to vector<16xf32>
      %broadcast_in_dim3A_540 = vector.broadcast %jit3A_538 : f32 to vector<16xf32>
      %select_n3A_541 = arith.select %gt3A_536, %broadcast_in_dim3A_539, %broadcast_in_dim3A_540 : vector<16xi1>, vector<16xf32>
      %add3A_542 = arith.addf %add3A_458, %select_n3A_541 : vector<16xf32>
      %jit3A_543 = arith.constant 0.000000e+00 : f32
      %broadcast_in_dim3A_544 = vector.broadcast %jit3A_543 : f32 to vector<16xf32>
      %select_n3A_545 = arith.select %gt3A_536, %get3A_534, %broadcast_in_dim3A_544 : vector<16xi1>, vector<16xf32>
      %add3A_546 = arith.addf %add3A_462, %select_n3A_545 : vector<16xf32>
      %mul3A_547 = arith.constant 8 : i32
      %mul3A_548 = arith.muli %scan3A_393, %mul3A_547 : i32
      %add3A_549 = arith.constant 7 : i32
      %add3A_550 = arith.addi %mul3A_548, %add3A_549 : i32
      %mul3A_551 = arith.constant 16 : i32
      %mul3A_552 = arith.muli %add3A_550, %mul3A_551 : i32
      %get3A_553 = arith.index_cast %mul3A_552 : i32 to index
      %get3A_554 = tpu.vector_load %arg4[%get3A_553] {strides = array<i32>} : memref<32768xf32, #tpu.memory_space<vmem>>, vector<16xf32>,
      %get3A_555 = vector.shape_cast %get3A_554 : vector<16xf32> to vector<16xf32>
      %gt3A_556 = vector.broadcast %scan3A_116#1 : f32 to vector<16xf32>
      %gt3A_557 = arith.cmpf ogt, %get3A_555, %gt3A_556 : vector<16xf32>
      %jit3A_558 = arith.constant 1.000000e+00 : f32
      %jit3A_559 = arith.constant 0.000000e+00 : f32
      %broadcast_in_dim3A_560 = vector.broadcast %jit3A_558 : f32 to vector<16xf32>
      %broadcast_in_dim3A_561 = vector.broadcast %jit3A_559 : f32 to vector<16xf32>
      %select_n3A_562 = arith.select %gt3A_557, %broadcast_in_dim3A_560, %broadcast_in_dim3A_561 : vector<16xi1>, vector<16xf32>
      %add3A_563 = arith.addf %add3A_479, %select_n3A_562 : vector<16xf32>
      %jit3A_564 = arith.constant 0.000000e+00 : f32
      %broadcast_in_dim3A_565 = vector.broadcast %jit3A_564 : f32 to vector<16xf32>
      %select_n3A_566 = arith.select %gt3A_557, %get3A_555, %broadcast_in_dim3A_565 : vector<16xi1>, vector<16xf32>
      %add3A_567 = arith.addf %add3A_483, %select_n3A_566 : vector<16xf32>
      scf.yield %add3A_500, %add3A_504, %add3A_521, %add3A_525, %add3A_542, %add3A_546, %add3A_563, %add3A_567 : vector<16xf32>, vector<16xf32>, vector<16xf32>, vector<16xf32>, vector<16xf32>, vector<16xf32>, vector<16xf32>, vector<16xf32>
    }
    %scan3A_123 = arith.constant 256 : i32
    %add3A_124 = arith.addf %scan3A_122#0, %scan3A_122#2 : vector<16xf32>
    %add3A_125 = arith.addf %scan3A_122#4, %scan3A_122#6 : vector<16xf32>
    %add3A_126 = arith.addf %add3A_124, %add3A_125 : vector<16xf32>
    %iota3A_127 = tpu.iota {dimensions = array<i32: 0>} : vector<16xi32>
    %xor3A_128 = arith.constant 8 : i32
    %xor3A_129 = vector.broadcast %xor3A_128 : i32 to vector<16xi32>
    %xor3A_130 = arith.xori %iota3A_127, %xor3A_129 : vector<16xi32>
    %broadcast_in_dim3A_131 = vector.shape_cast %xor3A_130 : vector<16xi32> to vector<16x1xi32>
    %gather3A_132 = vector.shape_cast %broadcast_in_dim3A_131 : vector<16x1xi32> to vector<16xi32>
    %gather3A_133 = tpu.dynamic_gather %add3A_126[%gather3A_132] in [0] : vector<16xf32>, vector<16xi32> -> vector<16xf32>
    %add3A_134 = arith.addf %add3A_126, %gather3A_133 : vector<16xf32>
    %xor3A_135 = arith.constant 4 : i32
    %xor3A_136 = vector.broadcast %xor3A_135 : i32 to vector<16xi32>
    %xor3A_137 = arith.xori %iota3A_127, %xor3A_136 : vector<16xi32>
    %broadcast_in_dim3A_138 = vector.shape_cast %xor3A_137 : vector<16xi32> to vector<16x1xi32>
    %gather3A_139 = vector.shape_cast %broadcast_in_dim3A_138 : vector<16x1xi32> to vector<16xi32>
    %gather3A_140 = tpu.dynamic_gather %add3A_134[%gather3A_139] in [0] : vector<16xf32>, vector<16xi32> -> vector<16xf32>
    %add3A_141 = arith.addf %add3A_134, %gather3A_140 : vector<16xf32>
    %xor3A_142 = arith.constant 2 : i32
    %xor3A_143 = vector.broadcast %xor3A_142 : i32 to vector<16xi32>
    %xor3A_144 = arith.xori %iota3A_127, %xor3A_143 : vector<16xi32>
    %broadcast_in_dim3A_145 = vector.shape_cast %xor3A_144 : vector<16xi32> to vector<16x1xi32>
    %gather3A_146 = vector.shape_cast %broadcast_in_dim3A_145 : vector<16x1xi32> to vector<16xi32>
    %gather3A_147 = tpu.dynamic_gather %add3A_141[%gather3A_146] in [0] : vector<16xf32>, vector<16xi32> -> vector<16xf32>
    %add3A_148 = arith.addf %add3A_141, %gather3A_147 : vector<16xf32>
    %xor3A_149 = arith.constant 1 : i32
    %xor3A_150 = vector.broadcast %xor3A_149 : i32 to vector<16xi32>
    %xor3A_151 = arith.xori %iota3A_127, %xor3A_150 : vector<16xi32>
    %broadcast_in_dim3A_152 = vector.shape_cast %xor3A_151 : vector<16xi32> to vector<16x1xi32>
    %gather3A_153 = vector.shape_cast %broadcast_in_dim3A_152 : vector<16x1xi32> to vector<16xi32>
    %gather3A_154 = tpu.dynamic_gather %add3A_148[%gather3A_153] in [0] : vector<16xf32>, vector<16xi32> -> vector<16xf32>
    %add3A_155 = arith.addf %add3A_148, %gather3A_154 : vector<16xf32>
    %slice3A_156 = vector.extract_strided_slice %add3A_155 {offsets = [0], sizes = [1], strides = [1]} : vector<16xf32> to vector<1xf32>
    %squeeze3A_157 = vector.extract %slice3A_156[0] : f32 from vector<1xf32>
    %add3A_158 = arith.addf %scan3A_122#1, %scan3A_122#3 : vector<16xf32>
    %add3A_159 = arith.addf %scan3A_122#5, %scan3A_122#7 : vector<16xf32>
    %add3A_160 = arith.addf %add3A_158, %add3A_159 : vector<16xf32>
    %iota3A_161 = tpu.iota {dimensions = array<i32: 0>} : vector<16xi32>
    %xor3A_162 = arith.constant 8 : i32
    %xor3A_163 = vector.broadcast %xor3A_162 : i32 to vector<16xi32>
    %xor3A_164 = arith.xori %iota3A_161, %xor3A_163 : vector<16xi32>
    %broadcast_in_dim3A_165 = vector.shape_cast %xor3A_164 : vector<16xi32> to vector<16x1xi32>
    %gather3A_166 = vector.shape_cast %broadcast_in_dim3A_165 : vector<16x1xi32> to vector<16xi32>
    %gather3A_167 = tpu.dynamic_gather %add3A_160[%gather3A_166] in [0] : vector<16xf32>, vector<16xi32> -> vector<16xf32>
    %add3A_168 = arith.addf %add3A_160, %gather3A_167 : vector<16xf32>
    %xor3A_169 = arith.constant 4 : i32
    %xor3A_170 = vector.broadcast %xor3A_169 : i32 to vector<16xi32>
    %xor3A_171 = arith.xori %iota3A_161, %xor3A_170 : vector<16xi32>
    %broadcast_in_dim3A_172 = vector.shape_cast %xor3A_171 : vector<16xi32> to vector<16x1xi32>
    %gather3A_173 = vector.shape_cast %broadcast_in_dim3A_172 : vector<16x1xi32> to vector<16xi32>
    %gather3A_174 = tpu.dynamic_gather %add3A_168[%gather3A_173] in [0] : vector<16xf32>, vector<16xi32> -> vector<16xf32>
    %add3A_175 = arith.addf %add3A_168, %gather3A_174 : vector<16xf32>
    %xor3A_176 = arith.constant 2 : i32
    %xor3A_177 = vector.broadcast %xor3A_176 : i32 to vector<16xi32>
    %xor3A_178 = arith.xori %iota3A_161, %xor3A_177 : vector<16xi32>
    %broadcast_in_dim3A_179 = vector.shape_cast %xor3A_178 : vector<16xi32> to vector<16x1xi32>
    %gather3A_180 = vector.shape_cast %broadcast_in_dim3A_179 : vector<16x1xi32> to vector<16xi32>
    %gather3A_181 = tpu.dynamic_gather %add3A_175[%gather3A_180] in [0] : vector<16xf32>, vector<16xi32> -> vector<16xf32>
    %add3A_182 = arith.addf %add3A_175, %gather3A_181 : vector<16xf32>
    %xor3A_183 = arith.constant 1 : i32
    %xor3A_184 = vector.broadcast %xor3A_183 : i32 to vector<16xi32>
    %xor3A_185 = arith.xori %iota3A_161, %xor3A_184 : vector<16xi32>
    %broadcast_in_dim3A_186 = vector.shape_cast %xor3A_185 : vector<16xi32> to vector<16x1xi32>
    %gather3A_187 = vector.shape_cast %broadcast_in_dim3A_186 : vector<16x1xi32> to vector<16xi32>
    %gather3A_188 = tpu.dynamic_gather %add3A_182[%gather3A_187] in [0] : vector<16xf32>, vector<16xi32> -> vector<16xf32>
    %add3A_189 = arith.addf %add3A_182, %gather3A_188 : vector<16xf32>
    %slice3A_190 = vector.extract_strided_slice %add3A_189 {offsets = [0], sizes = [1], strides = [1]} : vector<16xf32> to vector<1xf32>
    %squeeze3A_191 = vector.extract %slice3A_190[0] : f32 from vector<1xf32>
    %sub3A = arith.constant 8.192000e+03 : f32
    %sub3A_192 = arith.subf %sub3A, %squeeze3A_157 : f32
    %mul3A_193 = arith.mulf %sub3A_192, %scan3A_116#1 : f32
    %add3A_194 = arith.addf %squeeze3A_191, %mul3A_193 : f32
    %add3A_195 = arith.constant 0.000000e+00 : f32
    %add3A_196 = arith.addf %add3A_195, %add3A_194 : f32
    %dma_wait3A_197 = arith.constant 0 : i32
    %dma_wait3A_198 = tpu.memref_slice %arg2[%add3A_11, %dma_wait3A_197] : memref<64x32768xf32, #tpu.memory_space<hbm>> -> memref<1x32768xf32, #tpu.memory_space<hbm>>
    %dma_wait3A_199 = tpu.memref_squeeze %dma_wait3A_198 : memref<1x32768xf32, #tpu.memory_space<hbm>> -> memref<32768xf32, #tpu.memory_space<hbm>>
    %dma_wait3A_200 = arith.constant 0 : i32
    %dma_wait3A_201 = tpu.memref_slice %arg2[%add3A_11, %dma_wait3A_200] : memref<64x32768xf32, #tpu.memory_space<hbm>> -> memref<1x32768xf32, #tpu.memory_space<hbm>>
    %dma_wait3A_202 = tpu.memref_squeeze %dma_wait3A_201 : memref<1x32768xf32, #tpu.memory_space<hbm>> -> memref<32768xf32, #tpu.memory_space<hbm>>
    tpu.wait_dma2 semaphore(%arg8 : memref<!tpu.dma_semaphore, #tpu.memory_space<semaphore_mem>>) src(%dma_wait3A_202 : memref<32768xf32, #tpu.memory_space<hbm>>) dst(%arg5 : memref<32768xf32, #tpu.memory_space<vmem>>)
    %broadcast_in_dim3A_203 = arith.constant 0.000000e+00 : f32
    %broadcast_in_dim3A_204 = vector.broadcast %broadcast_in_dim3A_203 : f32 to vector<16xf32>
    %broadcast_in_dim3A_205 = arith.constant 0x7F800000 : f32
    %broadcast_in_dim3A_206 = vector.broadcast %broadcast_in_dim3A_205 : f32 to vector<16xf32>
    %broadcast_in_dim3A_207 = arith.constant 0xFF800000 : f32
    %broadcast_in_dim3A_208 = vector.broadcast %broadcast_in_dim3A_207 : f32 to vector<16xf32>
    %broadcast_in_dim3A_209 = arith.constant 0x7F800000 : f32
    %broadcast_in_dim3A_210 = vector.broadcast %broadcast_in_dim3A_209 : f32 to vector<16xf32>
    %broadcast_in_dim3A_211 = arith.constant 0xFF800000 : f32
    %broadcast_in_dim3A_212 = vector.broadcast %broadcast_in_dim3A_211 : f32 to vector<16xf32>
    %broadcast_in_dim3A_213 = arith.constant 0x7F800000 : f32
    %broadcast_in_dim3A_214 = vector.broadcast %broadcast_in_dim3A_213 : f32 to vector<16xf32>
    %broadcast_in_dim3A_215 = arith.constant 0xFF800000 : f32
    %broadcast_in_dim3A_216 = vector.broadcast %broadcast_in_dim3A_215 : f32 to vector<16xf32>
    %broadcast_in_dim3A_217 = arith.constant 0x7F800000 : f32
    %broadcast_in_dim3A_218 = vector.broadcast %broadcast_in_dim3A_217 : f32 to vector<16xf32>
    %broadcast_in_dim3A_219 = arith.constant 0xFF800000 : f32
    %broadcast_in_dim3A_220 = vector.broadcast %broadcast_in_dim3A_219 : f32 to vector<16xf32>
    %scan3A_221 = arith.constant 0 : i32
    %scan3A_222 = arith.constant 256 : i32
    %scan3A_223 = arith.addi %scan3A_221, %scan3A_222 : i32
    %scan3A_224 = arith.constant 1 : i32
    %scan3A_225:8 = scf.for %scan3A_393 = %scan3A_221 to %scan3A_223 step %scan3A_224 iter_args(%scan3A_394 = %broadcast_in_dim3A_206, %scan3A_395 = %broadcast_in_dim3A_208, %scan3A_396 = %broadcast_in_dim3A_210, %scan3A_397 = %broadcast_in_dim3A_212, %scan3A_398 = %broadcast_in_dim3A_214, %scan3A_399 = %broadcast_in_dim3A_216, %scan3A_400 = %broadcast_in_dim3A_218, %scan3A_401 = %broadcast_in_dim3A_220) -> (vector<16xf32>, vector<16xf32>, vector<16xf32>, vector<16xf32>, vector<16xf32>, vector<16xf32>, vector<16xf32>, vector<16xf32>)  : i32 {
      %mul3A_402 = arith.constant 8 : i32
      %mul3A_403 = arith.muli %scan3A_393, %mul3A_402 : i32
      %add3A_404 = arith.constant 0 : i32
      %add3A_405 = arith.addi %mul3A_403, %add3A_404 : i32
      %mul3A_406 = arith.constant 16 : i32
      %mul3A_407 = arith.muli %add3A_405, %mul3A_406 : i32
      %get3A = arith.index_cast %mul3A_407 : i32 to index
      %get3A_408 = tpu.vector_load %arg5[%get3A] {strides = array<i32>} : memref<32768xf32, #tpu.memory_space<vmem>>, vector<16xf32>,
      %get3A_409 = vector.shape_cast %get3A_408 : vector<16xf32> to vector<16xf32>
      %min3A_410 = arith.minimumf %scan3A_394, %get3A_409 : vector<16xf32>
      %max3A_411 = arith.maximumf %scan3A_395, %get3A_409 : vector<16xf32>
      %mul3A_412 = arith.constant 8 : i32
      %mul3A_413 = arith.muli %scan3A_393, %mul3A_412 : i32
      %add3A_414 = arith.constant 1 : i32
      %add3A_415 = arith.addi %mul3A_413, %add3A_414 : i32
      %mul3A_416 = arith.constant 16 : i32
      %mul3A_417 = arith.muli %add3A_415, %mul3A_416 : i32
      %get3A_418 = arith.index_cast %mul3A_417 : i32 to index
      %get3A_419 = tpu.vector_load %arg5[%get3A_418] {strides = array<i32>} : memref<32768xf32, #tpu.memory_space<vmem>>, vector<16xf32>,
      %get3A_420 = vector.shape_cast %get3A_419 : vector<16xf32> to vector<16xf32>
      %min3A_421 = arith.minimumf %scan3A_396, %get3A_420 : vector<16xf32>
      %max3A_422 = arith.maximumf %scan3A_397, %get3A_420 : vector<16xf32>
      %mul3A_423 = arith.constant 8 : i32
      %mul3A_424 = arith.muli %scan3A_393, %mul3A_423 : i32
      %add3A_425 = arith.constant 2 : i32
      %add3A_426 = arith.addi %mul3A_424, %add3A_425 : i32
      %mul3A_427 = arith.constant 16 : i32
      %mul3A_428 = arith.muli %add3A_426, %mul3A_427 : i32
      %get3A_429 = arith.index_cast %mul3A_428 : i32 to index
      %get3A_430 = tpu.vector_load %arg5[%get3A_429] {strides = array<i32>} : memref<32768xf32, #tpu.memory_space<vmem>>, vector<16xf32>,
      %get3A_431 = vector.shape_cast %get3A_430 : vector<16xf32> to vector<16xf32>
      %min3A_432 = arith.minimumf %scan3A_398, %get3A_431 : vector<16xf32>
      %max3A_433 = arith.maximumf %scan3A_399, %get3A_431 : vector<16xf32>
      %mul3A_434 = arith.constant 8 : i32
      %mul3A_435 = arith.muli %scan3A_393, %mul3A_434 : i32
      %add3A_436 = arith.constant 3 : i32
      %add3A_437 = arith.addi %mul3A_435, %add3A_436 : i32
      %mul3A_438 = arith.constant 16 : i32
      %mul3A_439 = arith.muli %add3A_437, %mul3A_438 : i32
      %get3A_440 = arith.index_cast %mul3A_439 : i32 to index
      %get3A_441 = tpu.vector_load %arg5[%get3A_440] {strides = array<i32>} : memref<32768xf32, #tpu.memory_space<vmem>>, vector<16xf32>,
      %get3A_442 = vector.shape_cast %get3A_441 : vector<16xf32> to vector<16xf32>
      %min3A_443 = arith.minimumf %scan3A_400, %get3A_442 : vector<16xf32>
      %max3A_444 = arith.maximumf %scan3A_401, %get3A_442 : vector<16xf32>
      %mul3A_445 = arith.constant 8 : i32
      %mul3A_446 = arith.muli %scan3A_393, %mul3A_445 : i32
      %add3A_447 = arith.constant 4 : i32
      %add3A_448 = arith.addi %mul3A_446, %add3A_447 : i32
      %mul3A_449 = arith.constant 16 : i32
      %mul3A_450 = arith.muli %add3A_448, %mul3A_449 : i32
      %get3A_451 = arith.index_cast %mul3A_450 : i32 to index
      %get3A_452 = tpu.vector_load %arg5[%get3A_451] {strides = array<i32>} : memref<32768xf32, #tpu.memory_space<vmem>>, vector<16xf32>,
      %get3A_453 = vector.shape_cast %get3A_452 : vector<16xf32> to vector<16xf32>
      %min3A_454 = arith.minimumf %min3A_410, %get3A_453 : vector<16xf32>
      %max3A_455 = arith.maximumf %max3A_411, %get3A_453 : vector<16xf32>
      %mul3A_456 = arith.constant 8 : i32
      %mul3A_457 = arith.muli %scan3A_393, %mul3A_456 : i32
      %add3A_458 = arith.constant 5 : i32
      %add3A_459 = arith.addi %mul3A_457, %add3A_458 : i32
      %mul3A_460 = arith.constant 16 : i32
      %mul3A_461 = arith.muli %add3A_459, %mul3A_460 : i32
      %get3A_462 = arith.index_cast %mul3A_461 : i32 to index
      %get3A_463 = tpu.vector_load %arg5[%get3A_462] {strides = array<i32>} : memref<32768xf32, #tpu.memory_space<vmem>>, vector<16xf32>,
      %get3A_464 = vector.shape_cast %get3A_463 : vector<16xf32> to vector<16xf32>
      %min3A_465 = arith.minimumf %min3A_421, %get3A_464 : vector<16xf32>
      %max3A_466 = arith.maximumf %max3A_422, %get3A_464 : vector<16xf32>
      %mul3A_467 = arith.constant 8 : i32
      %mul3A_468 = arith.muli %scan3A_393, %mul3A_467 : i32
      %add3A_469 = arith.constant 6 : i32
      %add3A_470 = arith.addi %mul3A_468, %add3A_469 : i32
      %mul3A_471 = arith.constant 16 : i32
      %mul3A_472 = arith.muli %add3A_470, %mul3A_471 : i32
      %get3A_473 = arith.index_cast %mul3A_472 : i32 to index
      %get3A_474 = tpu.vector_load %arg5[%get3A_473] {strides = array<i32>} : memref<32768xf32, #tpu.memory_space<vmem>>, vector<16xf32>,
      %get3A_475 = vector.shape_cast %get3A_474 : vector<16xf32> to vector<16xf32>
      %min3A_476 = arith.minimumf %min3A_432, %get3A_475 : vector<16xf32>
      %max3A_477 = arith.maximumf %max3A_433, %get3A_475 : vector<16xf32>
      %mul3A_478 = arith.constant 8 : i32
      %mul3A_479 = arith.muli %scan3A_393, %mul3A_478 : i32
      %add3A_480 = arith.constant 7 : i32
      %add3A_481 = arith.addi %mul3A_479, %add3A_480 : i32
      %mul3A_482 = arith.constant 16 : i32
      %mul3A_483 = arith.muli %add3A_481, %mul3A_482 : i32
      %get3A_484 = arith.index_cast %mul3A_483 : i32 to index
      %get3A_485 = tpu.vector_load %arg5[%get3A_484] {strides = array<i32>} : memref<32768xf32, #tpu.memory_space<vmem>>, vector<16xf32>,
      %get3A_486 = vector.shape_cast %get3A_485 : vector<16xf32> to vector<16xf32>
      %min3A_487 = arith.minimumf %min3A_443, %get3A_486 : vector<16xf32>
      %max3A_488 = arith.maximumf %max3A_444, %get3A_486 : vector<16xf32>
      scf.yield %min3A_454, %max3A_455, %min3A_465, %max3A_466, %min3A_476, %max3A_477, %min3A_487, %max3A_488 : vector<16xf32>, vector<16xf32>, vector<16xf32>, vector<16xf32>, vector<16xf32>, vector<16xf32>, vector<16xf32>, vector<16xf32>
    }
    %scan3A_226 = arith.constant 256 : i32
    %min3A_227 = arith.minimumf %scan3A_225#0, %scan3A_225#2 : vector<16xf32>
    %min3A_228 = arith.minimumf %scan3A_225#4, %scan3A_225#6 : vector<16xf32>
    %min3A_229 = arith.minimumf %min3A_227, %min3A_228 : vector<16xf32>
    %max3A_230 = arith.maximumf %scan3A_225#1, %scan3A_225#3 : vector<16xf32>
    %max3A_231 = arith.maximumf %scan3A_225#5, %scan3A_225#7 : vector<16xf32>
    %max3A_232 = arith.maximumf %max3A_230, %max3A_231 : vector<16xf32>
    %neg3A_233 = arith.constant 0.000000e+00 : f32
    %neg3A_234 = vector.broadcast %neg3A_233 : f32 to vector<16xf32>
    %neg3A_235 = arith.subf %neg3A_234, %min3A_229 : vector<16xf32>
    %iota3A_236 = tpu.iota {dimensions = array<i32: 0>} : vector<16xi32>
    %xor3A_237 = arith.constant 8 : i32
    %xor3A_238 = vector.broadcast %xor3A_237 : i32 to vector<16xi32>
    %xor3A_239 = arith.xori %iota3A_236, %xor3A_238 : vector<16xi32>
    %broadcast_in_dim3A_240 = vector.shape_cast %xor3A_239 : vector<16xi32> to vector<16x1xi32>
    %gather3A_241 = vector.shape_cast %broadcast_in_dim3A_240 : vector<16x1xi32> to vector<16xi32>
    %gather3A_242 = tpu.dynamic_gather %neg3A_235[%gather3A_241] in [0] : vector<16xf32>, vector<16xi32> -> vector<16xf32>
    %max3A_243 = arith.maximumf %neg3A_235, %gather3A_242 : vector<16xf32>
    %xor3A_244 = arith.constant 4 : i32
    %xor3A_245 = vector.broadcast %xor3A_244 : i32 to vector<16xi32>
    %xor3A_246 = arith.xori %iota3A_236, %xor3A_245 : vector<16xi32>
    %broadcast_in_dim3A_247 = vector.shape_cast %xor3A_246 : vector<16xi32> to vector<16x1xi32>
    %gather3A_248 = vector.shape_cast %broadcast_in_dim3A_247 : vector<16x1xi32> to vector<16xi32>
    %gather3A_249 = tpu.dynamic_gather %max3A_243[%gather3A_248] in [0] : vector<16xf32>, vector<16xi32> -> vector<16xf32>
    %max3A_250 = arith.maximumf %max3A_243, %gather3A_249 : vector<16xf32>
    %xor3A_251 = arith.constant 2 : i32
    %xor3A_252 = vector.broadcast %xor3A_251 : i32 to vector<16xi32>
    %xor3A_253 = arith.xori %iota3A_236, %xor3A_252 : vector<16xi32>
    %broadcast_in_dim3A_254 = vector.shape_cast %xor3A_253 : vector<16xi32> to vector<16x1xi32>
    %gather3A_255 = vector.shape_cast %broadcast_in_dim3A_254 : vector<16x1xi32> to vector<16xi32>
    %gather3A_256 = tpu.dynamic_gather %max3A_250[%gather3A_255] in [0] : vector<16xf32>, vector<16xi32> -> vector<16xf32>
    %max3A_257 = arith.maximumf %max3A_250, %gather3A_256 : vector<16xf32>
    %xor3A_258 = arith.constant 1 : i32
    %xor3A_259 = vector.broadcast %xor3A_258 : i32 to vector<16xi32>
    %xor3A_260 = arith.xori %iota3A_236, %xor3A_259 : vector<16xi32>
    %broadcast_in_dim3A_261 = vector.shape_cast %xor3A_260 : vector<16xi32> to vector<16x1xi32>
    %gather3A_262 = vector.shape_cast %broadcast_in_dim3A_261 : vector<16x1xi32> to vector<16xi32>
    %gather3A_263 = tpu.dynamic_gather %max3A_257[%gather3A_262] in [0] : vector<16xf32>, vector<16xi32> -> vector<16xf32>
    %max3A_264 = arith.maximumf %max3A_257, %gather3A_263 : vector<16xf32>
    %slice3A_265 = vector.extract_strided_slice %max3A_264 {offsets = [0], sizes = [1], strides = [1]} : vector<16xf32> to vector<1xf32>
    %squeeze3A_266 = vector.extract %slice3A_265[0] : f32 from vector<1xf32>
    %neg3A_267 = arith.constant 0.000000e+00 : f32
    %neg3A_268 = arith.subf %neg3A_267, %squeeze3A_266 : f32
    %iota3A_269 = tpu.iota {dimensions = array<i32: 0>} : vector<16xi32>
    %xor3A_270 = arith.constant 8 : i32
    %xor3A_271 = vector.broadcast %xor3A_270 : i32 to vector<16xi32>
    %xor3A_272 = arith.xori %iota3A_269, %xor3A_271 : vector<16xi32>
    %broadcast_in_dim3A_273 = vector.shape_cast %xor3A_272 : vector<16xi32> to vector<16x1xi32>
    %gather3A_274 = vector.shape_cast %broadcast_in_dim3A_273 : vector<16x1xi32> to vector<16xi32>
    %gather3A_275 = tpu.dynamic_gather %max3A_232[%gather3A_274] in [0] : vector<16xf32>, vector<16xi32> -> vector<16xf32>
    %max3A_276 = arith.maximumf %max3A_232, %gather3A_275 : vector<16xf32>
    %xor3A_277 = arith.constant 4 : i32
    %xor3A_278 = vector.broadcast %xor3A_277 : i32 to vector<16xi32>
    %xor3A_279 = arith.xori %iota3A_269, %xor3A_278 : vector<16xi32>
    %broadcast_in_dim3A_280 = vector.shape_cast %xor3A_279 : vector<16xi32> to vector<16x1xi32>
    %gather3A_281 = vector.shape_cast %broadcast_in_dim3A_280 : vector<16x1xi32> to vector<16xi32>
    %gather3A_282 = tpu.dynamic_gather %max3A_276[%gather3A_281] in [0] : vector<16xf32>, vector<16xi32> -> vector<16xf32>
    %max3A_283 = arith.maximumf %max3A_276, %gather3A_282 : vector<16xf32>
    %xor3A_284 = arith.constant 2 : i32
    %xor3A_285 = vector.broadcast %xor3A_284 : i32 to vector<16xi32>
    %xor3A_286 = arith.xori %iota3A_269, %xor3A_285 : vector<16xi32>
    %broadcast_in_dim3A_287 = vector.shape_cast %xor3A_286 : vector<16xi32> to vector<16x1xi32>
    %gather3A_288 = vector.shape_cast %broadcast_in_dim3A_287 : vector<16x1xi32> to vector<16xi32>
    %gather3A_289 = tpu.dynamic_gather %max3A_283[%gather3A_288] in [0] : vector<16xf32>, vector<16xi32> -> vector<16xf32>
    %max3A_290 = arith.maximumf %max3A_283, %gather3A_289 : vector<16xf32>
    %xor3A_291 = arith.constant 1 : i32
    %xor3A_292 = vector.broadcast %xor3A_291 : i32 to vector<16xi32>
    %xor3A_293 = arith.xori %iota3A_269, %xor3A_292 : vector<16xi32>
    %broadcast_in_dim3A_294 = vector.shape_cast %xor3A_293 : vector<16xi32> to vector<16x1xi32>
    %gather3A_295 = vector.shape_cast %broadcast_in_dim3A_294 : vector<16x1xi32> to vector<16xi32>
    %gather3A_296 = tpu.dynamic_gather %max3A_290[%gather3A_295] in [0] : vector<16xf32>, vector<16xi32> -> vector<16xf32>
    %max3A_297 = arith.maximumf %max3A_290, %gather3A_296 : vector<16xf32>
    %slice3A_298 = vector.extract_strided_slice %max3A_297 {offsets = [0], sizes = [1], strides = [1]} : vector<16xf32> to vector<1xf32>
    %squeeze3A_299 = vector.extract %slice3A_298[0] : f32 from vector<1xf32>
    %scan3A_300 = arith.constant 8.192000e+03 : f32
    %scan3A_301 = arith.constant 0 : i32
    %scan3A_302 = arith.constant 24 : i32
    %scan3A_303 = arith.addi %scan3A_301, %scan3A_302 : i32
    %scan3A_304 = arith.constant 1 : i32
    %scan3A_305:2 = scf.for %scan3A_393 = %scan3A_301 to %scan3A_303 step %scan3A_304 iter_args(%scan3A_394 = %neg3A_268, %scan3A_395 = %squeeze3A_299) -> (f32, f32)  : i32 {
      %mul3A_396 = arith.constant 5.000000e-01 : f32
      %mul3A_397 = arith.mulf %mul3A_396, %scan3A_394 : f32
      %mul3A_398 = arith.constant 5.000000e-01 : f32
      %mul3A_399 = arith.mulf %mul3A_398, %scan3A_395 : f32
      %add3A_400 = arith.addf %mul3A_397, %mul3A_399 : f32
      %scan3A_401 = arith.constant 0 : i32
      %scan3A_402 = arith.constant 256 : i32
      %scan3A_403 = arith.addi %scan3A_401, %scan3A_402 : i32
      %scan3A_404 = arith.constant 1 : i32
      %scan3A_405:4 = scf.for %scan3A_443 = %scan3A_401 to %scan3A_403 step %scan3A_404 iter_args(%scan3A_444 = %broadcast_in_dim3A_204, %scan3A_445 = %broadcast_in_dim3A_204, %scan3A_446 = %broadcast_in_dim3A_204, %scan3A_447 = %broadcast_in_dim3A_204) -> (vector<16xf32>, vector<16xf32>, vector<16xf32>, vector<16xf32>)  : i32 {
        %mul3A_448 = arith.constant 8 : i32
        %mul3A_449 = arith.muli %scan3A_443, %mul3A_448 : i32
        %add3A_450 = arith.constant 0 : i32
        %add3A_451 = arith.addi %mul3A_449, %add3A_450 : i32
        %mul3A_452 = arith.constant 16 : i32
        %mul3A_453 = arith.muli %add3A_451, %mul3A_452 : i32
        %get3A = arith.index_cast %mul3A_453 : i32 to index
        %get3A_454 = tpu.vector_load %arg5[%get3A] {strides = array<i32>} : memref<32768xf32, #tpu.memory_space<vmem>>, vector<16xf32>,
        %get3A_455 = vector.shape_cast %get3A_454 : vector<16xf32> to vector<16xf32>
        %gt3A = vector.broadcast %add3A_400 : f32 to vector<16xf32>
        %gt3A_456 = arith.cmpf ogt, %get3A_455, %gt3A : vector<16xf32>
        %jit3A_457 = arith.constant 1.000000e+00 : f32
        %jit3A_458 = arith.constant 0.000000e+00 : f32
        %broadcast_in_dim3A_459 = vector.broadcast %jit3A_457 : f32 to vector<16xf32>
        %broadcast_in_dim3A_460 = vector.broadcast %jit3A_458 : f32 to vector<16xf32>
        %select_n3A_461 = arith.select %gt3A_456, %broadcast_in_dim3A_459, %broadcast_in_dim3A_460 : vector<16xi1>, vector<16xf32>
        %add3A_462 = arith.addf %scan3A_444, %select_n3A_461 : vector<16xf32>
        %mul3A_463 = arith.constant 8 : i32
        %mul3A_464 = arith.muli %scan3A_443, %mul3A_463 : i32
        %add3A_465 = arith.constant 1 : i32
        %add3A_466 = arith.addi %mul3A_464, %add3A_465 : i32
        %mul3A_467 = arith.constant 16 : i32
        %mul3A_468 = arith.muli %add3A_466, %mul3A_467 : i32
        %get3A_469 = arith.index_cast %mul3A_468 : i32 to index
        %get3A_470 = tpu.vector_load %arg5[%get3A_469] {strides = array<i32>} : memref<32768xf32, #tpu.memory_space<vmem>>, vector<16xf32>,
        %get3A_471 = vector.shape_cast %get3A_470 : vector<16xf32> to vector<16xf32>
        %gt3A_472 = vector.broadcast %add3A_400 : f32 to vector<16xf32>
        %gt3A_473 = arith.cmpf ogt, %get3A_471, %gt3A_472 : vector<16xf32>
        %jit3A_474 = arith.constant 1.000000e+00 : f32
        %jit3A_475 = arith.constant 0.000000e+00 : f32
        %broadcast_in_dim3A_476 = vector.broadcast %jit3A_474 : f32 to vector<16xf32>
        %broadcast_in_dim3A_477 = vector.broadcast %jit3A_475 : f32 to vector<16xf32>
        %select_n3A_478 = arith.select %gt3A_473, %broadcast_in_dim3A_476, %broadcast_in_dim3A_477 : vector<16xi1>, vector<16xf32>
        %add3A_479 = arith.addf %scan3A_445, %select_n3A_478 : vector<16xf32>
        %mul3A_480 = arith.constant 8 : i32
        %mul3A_481 = arith.muli %scan3A_443, %mul3A_480 : i32
        %add3A_482 = arith.constant 2 : i32
        %add3A_483 = arith.addi %mul3A_481, %add3A_482 : i32
        %mul3A_484 = arith.constant 16 : i32
        %mul3A_485 = arith.muli %add3A_483, %mul3A_484 : i32
        %get3A_486 = arith.index_cast %mul3A_485 : i32 to index
        %get3A_487 = tpu.vector_load %arg5[%get3A_486] {strides = array<i32>} : memref<32768xf32, #tpu.memory_space<vmem>>, vector<16xf32>,
        %get3A_488 = vector.shape_cast %get3A_487 : vector<16xf32> to vector<16xf32>
        %gt3A_489 = vector.broadcast %add3A_400 : f32 to vector<16xf32>
        %gt3A_490 = arith.cmpf ogt, %get3A_488, %gt3A_489 : vector<16xf32>
        %jit3A_491 = arith.constant 1.000000e+00 : f32
        %jit3A_492 = arith.constant 0.000000e+00 : f32
        %broadcast_in_dim3A_493 = vector.broadcast %jit3A_491 : f32 to vector<16xf32>
        %broadcast_in_dim3A_494 = vector.broadcast %jit3A_492 : f32 to vector<16xf32>
        %select_n3A_495 = arith.select %gt3A_490, %broadcast_in_dim3A_493, %broadcast_in_dim3A_494 : vector<16xi1>, vector<16xf32>
        %add3A_496 = arith.addf %scan3A_446, %select_n3A_495 : vector<16xf32>
        %mul3A_497 = arith.constant 8 : i32
        %mul3A_498 = arith.muli %scan3A_443, %mul3A_497 : i32
        %add3A_499 = arith.constant 3 : i32
        %add3A_500 = arith.addi %mul3A_498, %add3A_499 : i32
        %mul3A_501 = arith.constant 16 : i32
        %mul3A_502 = arith.muli %add3A_500, %mul3A_501 : i32
        %get3A_503 = arith.index_cast %mul3A_502 : i32 to index
        %get3A_504 = tpu.vector_load %arg5[%get3A_503] {strides = array<i32>} : memref<32768xf32, #tpu.memory_space<vmem>>, vector<16xf32>,
        %get3A_505 = vector.shape_cast %get3A_504 : vector<16xf32> to vector<16xf32>
        %gt3A_506 = vector.broadcast %add3A_400 : f32 to vector<16xf32>
        %gt3A_507 = arith.cmpf ogt, %get3A_505, %gt3A_506 : vector<16xf32>
        %jit3A_508 = arith.constant 1.000000e+00 : f32
        %jit3A_509 = arith.constant 0.000000e+00 : f32
        %broadcast_in_dim3A_510 = vector.broadcast %jit3A_508 : f32 to vector<16xf32>
        %broadcast_in_dim3A_511 = vector.broadcast %jit3A_509 : f32 to vector<16xf32>
        %select_n3A_512 = arith.select %gt3A_507, %broadcast_in_dim3A_510, %broadcast_in_dim3A_511 : vector<16xi1>, vector<16xf32>
        %add3A_513 = arith.addf %scan3A_447, %select_n3A_512 : vector<16xf32>
        %mul3A_514 = arith.constant 8 : i32
        %mul3A_515 = arith.muli %scan3A_443, %mul3A_514 : i32
        %add3A_516 = arith.constant 4 : i32
        %add3A_517 = arith.addi %mul3A_515, %add3A_516 : i32
        %mul3A_518 = arith.constant 16 : i32
        %mul3A_519 = arith.muli %add3A_517, %mul3A_518 : i32
        %get3A_520 = arith.index_cast %mul3A_519 : i32 to index
        %get3A_521 = tpu.vector_load %arg5[%get3A_520] {strides = array<i32>} : memref<32768xf32, #tpu.memory_space<vmem>>, vector<16xf32>,
        %get3A_522 = vector.shape_cast %get3A_521 : vector<16xf32> to vector<16xf32>
        %gt3A_523 = vector.broadcast %add3A_400 : f32 to vector<16xf32>
        %gt3A_524 = arith.cmpf ogt, %get3A_522, %gt3A_523 : vector<16xf32>
        %jit3A_525 = arith.constant 1.000000e+00 : f32
        %jit3A_526 = arith.constant 0.000000e+00 : f32
        %broadcast_in_dim3A_527 = vector.broadcast %jit3A_525 : f32 to vector<16xf32>
        %broadcast_in_dim3A_528 = vector.broadcast %jit3A_526 : f32 to vector<16xf32>
        %select_n3A_529 = arith.select %gt3A_524, %broadcast_in_dim3A_527, %broadcast_in_dim3A_528 : vector<16xi1>, vector<16xf32>
        %add3A_530 = arith.addf %add3A_462, %select_n3A_529 : vector<16xf32>
        %mul3A_531 = arith.constant 8 : i32
        %mul3A_532 = arith.muli %scan3A_443, %mul3A_531 : i32
        %add3A_533 = arith.constant 5 : i32
        %add3A_534 = arith.addi %mul3A_532, %add3A_533 : i32
        %mul3A_535 = arith.constant 16 : i32
        %mul3A_536 = arith.muli %add3A_534, %mul3A_535 : i32
        %get3A_537 = arith.index_cast %mul3A_536 : i32 to index
        %get3A_538 = tpu.vector_load %arg5[%get3A_537] {strides = array<i32>} : memref<32768xf32, #tpu.memory_space<vmem>>, vector<16xf32>,
        %get3A_539 = vector.shape_cast %get3A_538 : vector<16xf32> to vector<16xf32>
        %gt3A_540 = vector.broadcast %add3A_400 : f32 to vector<16xf32>
        %gt3A_541 = arith.cmpf ogt, %get3A_539, %gt3A_540 : vector<16xf32>
        %jit3A_542 = arith.constant 1.000000e+00 : f32
        %jit3A_543 = arith.constant 0.000000e+00 : f32
        %broadcast_in_dim3A_544 = vector.broadcast %jit3A_542 : f32 to vector<16xf32>
        %broadcast_in_dim3A_545 = vector.broadcast %jit3A_543 : f32 to vector<16xf32>
        %select_n3A_546 = arith.select %gt3A_541, %broadcast_in_dim3A_544, %broadcast_in_dim3A_545 : vector<16xi1>, vector<16xf32>
        %add3A_547 = arith.addf %add3A_479, %select_n3A_546 : vector<16xf32>
        %mul3A_548 = arith.constant 8 : i32
        %mul3A_549 = arith.muli %scan3A_443, %mul3A_548 : i32
        %add3A_550 = arith.constant 6 : i32
        %add3A_551 = arith.addi %mul3A_549, %add3A_550 : i32
        %mul3A_552 = arith.constant 16 : i32
        %mul3A_553 = arith.muli %add3A_551, %mul3A_552 : i32
        %get3A_554 = arith.index_cast %mul3A_553 : i32 to index
        %get3A_555 = tpu.vector_load %arg5[%get3A_554] {strides = array<i32>} : memref<32768xf32, #tpu.memory_space<vmem>>, vector<16xf32>,
        %get3A_556 = vector.shape_cast %get3A_555 : vector<16xf32> to vector<16xf32>
        %gt3A_557 = vector.broadcast %add3A_400 : f32 to vector<16xf32>
        %gt3A_558 = arith.cmpf ogt, %get3A_556, %gt3A_557 : vector<16xf32>
        %jit3A_559 = arith.constant 1.000000e+00 : f32
        %jit3A_560 = arith.constant 0.000000e+00 : f32
        %broadcast_in_dim3A_561 = vector.broadcast %jit3A_559 : f32 to vector<16xf32>
        %broadcast_in_dim3A_562 = vector.broadcast %jit3A_560 : f32 to vector<16xf32>
        %select_n3A_563 = arith.select %gt3A_558, %broadcast_in_dim3A_561, %broadcast_in_dim3A_562 : vector<16xi1>, vector<16xf32>
        %add3A_564 = arith.addf %add3A_496, %select_n3A_563 : vector<16xf32>
        %mul3A_565 = arith.constant 8 : i32
        %mul3A_566 = arith.muli %scan3A_443, %mul3A_565 : i32
        %add3A_567 = arith.constant 7 : i32
        %add3A_568 = arith.addi %mul3A_566, %add3A_567 : i32
        %mul3A_569 = arith.constant 16 : i32
        %mul3A_570 = arith.muli %add3A_568, %mul3A_569 : i32
        %get3A_571 = arith.index_cast %mul3A_570 : i32 to index
        %get3A_572 = tpu.vector_load %arg5[%get3A_571] {strides = array<i32>} : memref<32768xf32, #tpu.memory_space<vmem>>, vector<16xf32>,
        %get3A_573 = vector.shape_cast %get3A_572 : vector<16xf32> to vector<16xf32>
        %gt3A_574 = vector.broadcast %add3A_400 : f32 to vector<16xf32>
        %gt3A_575 = arith.cmpf ogt, %get3A_573, %gt3A_574 : vector<16xf32>
        %jit3A_576 = arith.constant 1.000000e+00 : f32
        %jit3A_577 = arith.constant 0.000000e+00 : f32
        %broadcast_in_dim3A_578 = vector.broadcast %jit3A_576 : f32 to vector<16xf32>
        %broadcast_in_dim3A_579 = vector.broadcast %jit3A_577 : f32 to vector<16xf32>
        %select_n3A_580 = arith.select %gt3A_575, %broadcast_in_dim3A_578, %broadcast_in_dim3A_579 : vector<16xi1>, vector<16xf32>
        %add3A_581 = arith.addf %add3A_513, %select_n3A_580 : vector<16xf32>
        scf.yield %add3A_530, %add3A_547, %add3A_564, %add3A_581 : vector<16xf32>, vector<16xf32>, vector<16xf32>, vector<16xf32>
      }
      %scan3A_406 = arith.constant 256 : i32
      %add3A_407 = arith.addf %scan3A_405#0, %scan3A_405#1 : vector<16xf32>
      %add3A_408 = arith.addf %scan3A_405#2, %scan3A_405#3 : vector<16xf32>
      %add3A_409 = arith.addf %add3A_407, %add3A_408 : vector<16xf32>
      %iota3A_410 = tpu.iota {dimensions = array<i32: 0>} : vector<16xi32>
      %xor3A_411 = arith.constant 8 : i32
      %xor3A_412 = vector.broadcast %xor3A_411 : i32 to vector<16xi32>
      %xor3A_413 = arith.xori %iota3A_410, %xor3A_412 : vector<16xi32>
      %broadcast_in_dim3A_414 = vector.shape_cast %xor3A_413 : vector<16xi32> to vector<16x1xi32>
      %gather3A_415 = vector.shape_cast %broadcast_in_dim3A_414 : vector<16x1xi32> to vector<16xi32>
      %gather3A_416 = tpu.dynamic_gather %add3A_409[%gather3A_415] in [0] : vector<16xf32>, vector<16xi32> -> vector<16xf32>
      %add3A_417 = arith.addf %add3A_409, %gather3A_416 : vector<16xf32>
      %xor3A_418 = arith.constant 4 : i32
      %xor3A_419 = vector.broadcast %xor3A_418 : i32 to vector<16xi32>
      %xor3A_420 = arith.xori %iota3A_410, %xor3A_419 : vector<16xi32>
      %broadcast_in_dim3A_421 = vector.shape_cast %xor3A_420 : vector<16xi32> to vector<16x1xi32>
      %gather3A_422 = vector.shape_cast %broadcast_in_dim3A_421 : vector<16x1xi32> to vector<16xi32>
      %gather3A_423 = tpu.dynamic_gather %add3A_417[%gather3A_422] in [0] : vector<16xf32>, vector<16xi32> -> vector<16xf32>
      %add3A_424 = arith.addf %add3A_417, %gather3A_423 : vector<16xf32>
      %xor3A_425 = arith.constant 2 : i32
      %xor3A_426 = vector.broadcast %xor3A_425 : i32 to vector<16xi32>
      %xor3A_427 = arith.xori %iota3A_410, %xor3A_426 : vector<16xi32>
      %broadcast_in_dim3A_428 = vector.shape_cast %xor3A_427 : vector<16xi32> to vector<16x1xi32>
      %gather3A_429 = vector.shape_cast %broadcast_in_dim3A_428 : vector<16x1xi32> to vector<16xi32>
      %gather3A_430 = tpu.dynamic_gather %add3A_424[%gather3A_429] in [0] : vector<16xf32>, vector<16xi32> -> vector<16xf32>
      %add3A_431 = arith.addf %add3A_424, %gather3A_430 : vector<16xf32>
      %xor3A_432 = arith.constant 1 : i32
      %xor3A_433 = vector.broadcast %xor3A_432 : i32 to vector<16xi32>
      %xor3A_434 = arith.xori %iota3A_410, %xor3A_433 : vector<16xi32>
      %broadcast_in_dim3A_435 = vector.shape_cast %xor3A_434 : vector<16xi32> to vector<16x1xi32>
      %gather3A_436 = vector.shape_cast %broadcast_in_dim3A_435 : vector<16x1xi32> to vector<16xi32>
      %gather3A_437 = tpu.dynamic_gather %add3A_431[%gather3A_436] in [0] : vector<16xf32>, vector<16xi32> -> vector<16xf32>
      %add3A_438 = arith.addf %add3A_431, %gather3A_437 : vector<16xf32>
      %slice3A_439 = vector.extract_strided_slice %add3A_438 {offsets = [0], sizes = [1], strides = [1]} : vector<16xf32> to vector<1xf32>
      %squeeze3A_440 = vector.extract %slice3A_439[0] : f32 from vector<1xf32>
      %ge3A = arith.cmpf oge, %squeeze3A_440, %scan3A_300 : f32
      %select_n3A_441 = arith.select %ge3A, %add3A_400, %scan3A_394 : f32
      %select_n3A_442 = arith.select %ge3A, %scan3A_395, %add3A_400 : f32
      scf.yield %select_n3A_441, %select_n3A_442 : f32, f32
    }
    %scan3A_306 = arith.constant 24 : i32
    %scan3A_307 = arith.constant 0 : i32
    %scan3A_308 = arith.constant 256 : i32
    %scan3A_309 = arith.addi %scan3A_307, %scan3A_308 : i32
    %scan3A_310 = arith.constant 1 : i32
    %scan3A_311:8 = scf.for %scan3A_393 = %scan3A_307 to %scan3A_309 step %scan3A_310 iter_args(%scan3A_394 = %broadcast_in_dim3A_204, %scan3A_395 = %broadcast_in_dim3A_204, %scan3A_396 = %broadcast_in_dim3A_204, %scan3A_397 = %broadcast_in_dim3A_204, %scan3A_398 = %broadcast_in_dim3A_204, %scan3A_399 = %broadcast_in_dim3A_204, %scan3A_400 = %broadcast_in_dim3A_204, %scan3A_401 = %broadcast_in_dim3A_204) -> (vector<16xf32>, vector<16xf32>, vector<16xf32>, vector<16xf32>, vector<16xf32>, vector<16xf32>, vector<16xf32>, vector<16xf32>)  : i32 {
      %mul3A_402 = arith.constant 8 : i32
      %mul3A_403 = arith.muli %scan3A_393, %mul3A_402 : i32
      %add3A_404 = arith.constant 0 : i32
      %add3A_405 = arith.addi %mul3A_403, %add3A_404 : i32
      %mul3A_406 = arith.constant 16 : i32
      %mul3A_407 = arith.muli %add3A_405, %mul3A_406 : i32
      %get3A = arith.index_cast %mul3A_407 : i32 to index
      %get3A_408 = tpu.vector_load %arg5[%get3A] {strides = array<i32>} : memref<32768xf32, #tpu.memory_space<vmem>>, vector<16xf32>,
      %get3A_409 = vector.shape_cast %get3A_408 : vector<16xf32> to vector<16xf32>
      %gt3A = vector.broadcast %scan3A_305#1 : f32 to vector<16xf32>
      %gt3A_410 = arith.cmpf ogt, %get3A_409, %gt3A : vector<16xf32>
      %jit3A_411 = arith.constant 1.000000e+00 : f32
      %jit3A_412 = arith.constant 0.000000e+00 : f32
      %broadcast_in_dim3A_413 = vector.broadcast %jit3A_411 : f32 to vector<16xf32>
      %broadcast_in_dim3A_414 = vector.broadcast %jit3A_412 : f32 to vector<16xf32>
      %select_n3A_415 = arith.select %gt3A_410, %broadcast_in_dim3A_413, %broadcast_in_dim3A_414 : vector<16xi1>, vector<16xf32>
      %add3A_416 = arith.addf %scan3A_394, %select_n3A_415 : vector<16xf32>
      %jit3A_417 = arith.constant 0.000000e+00 : f32
      %broadcast_in_dim3A_418 = vector.broadcast %jit3A_417 : f32 to vector<16xf32>
      %select_n3A_419 = arith.select %gt3A_410, %get3A_409, %broadcast_in_dim3A_418 : vector<16xi1>, vector<16xf32>
      %add3A_420 = arith.addf %scan3A_395, %select_n3A_419 : vector<16xf32>
      %mul3A_421 = arith.constant 8 : i32
      %mul3A_422 = arith.muli %scan3A_393, %mul3A_421 : i32
      %add3A_423 = arith.constant 1 : i32
      %add3A_424 = arith.addi %mul3A_422, %add3A_423 : i32
      %mul3A_425 = arith.constant 16 : i32
      %mul3A_426 = arith.muli %add3A_424, %mul3A_425 : i32
      %get3A_427 = arith.index_cast %mul3A_426 : i32 to index
      %get3A_428 = tpu.vector_load %arg5[%get3A_427] {strides = array<i32>} : memref<32768xf32, #tpu.memory_space<vmem>>, vector<16xf32>,
      %get3A_429 = vector.shape_cast %get3A_428 : vector<16xf32> to vector<16xf32>
      %gt3A_430 = vector.broadcast %scan3A_305#1 : f32 to vector<16xf32>
      %gt3A_431 = arith.cmpf ogt, %get3A_429, %gt3A_430 : vector<16xf32>
      %jit3A_432 = arith.constant 1.000000e+00 : f32
      %jit3A_433 = arith.constant 0.000000e+00 : f32
      %broadcast_in_dim3A_434 = vector.broadcast %jit3A_432 : f32 to vector<16xf32>
      %broadcast_in_dim3A_435 = vector.broadcast %jit3A_433 : f32 to vector<16xf32>
      %select_n3A_436 = arith.select %gt3A_431, %broadcast_in_dim3A_434, %broadcast_in_dim3A_435 : vector<16xi1>, vector<16xf32>
      %add3A_437 = arith.addf %scan3A_396, %select_n3A_436 : vector<16xf32>
      %jit3A_438 = arith.constant 0.000000e+00 : f32
      %broadcast_in_dim3A_439 = vector.broadcast %jit3A_438 : f32 to vector<16xf32>
      %select_n3A_440 = arith.select %gt3A_431, %get3A_429, %broadcast_in_dim3A_439 : vector<16xi1>, vector<16xf32>
      %add3A_441 = arith.addf %scan3A_397, %select_n3A_440 : vector<16xf32>
      %mul3A_442 = arith.constant 8 : i32
      %mul3A_443 = arith.muli %scan3A_393, %mul3A_442 : i32
      %add3A_444 = arith.constant 2 : i32
      %add3A_445 = arith.addi %mul3A_443, %add3A_444 : i32
      %mul3A_446 = arith.constant 16 : i32
      %mul3A_447 = arith.muli %add3A_445, %mul3A_446 : i32
      %get3A_448 = arith.index_cast %mul3A_447 : i32 to index
      %get3A_449 = tpu.vector_load %arg5[%get3A_448] {strides = array<i32>} : memref<32768xf32, #tpu.memory_space<vmem>>, vector<16xf32>,
      %get3A_450 = vector.shape_cast %get3A_449 : vector<16xf32> to vector<16xf32>
      %gt3A_451 = vector.broadcast %scan3A_305#1 : f32 to vector<16xf32>
      %gt3A_452 = arith.cmpf ogt, %get3A_450, %gt3A_451 : vector<16xf32>
      %jit3A_453 = arith.constant 1.000000e+00 : f32
      %jit3A_454 = arith.constant 0.000000e+00 : f32
      %broadcast_in_dim3A_455 = vector.broadcast %jit3A_453 : f32 to vector<16xf32>
      %broadcast_in_dim3A_456 = vector.broadcast %jit3A_454 : f32 to vector<16xf32>
      %select_n3A_457 = arith.select %gt3A_452, %broadcast_in_dim3A_455, %broadcast_in_dim3A_456 : vector<16xi1>, vector<16xf32>
      %add3A_458 = arith.addf %scan3A_398, %select_n3A_457 : vector<16xf32>
      %jit3A_459 = arith.constant 0.000000e+00 : f32
      %broadcast_in_dim3A_460 = vector.broadcast %jit3A_459 : f32 to vector<16xf32>
      %select_n3A_461 = arith.select %gt3A_452, %get3A_450, %broadcast_in_dim3A_460 : vector<16xi1>, vector<16xf32>
      %add3A_462 = arith.addf %scan3A_399, %select_n3A_461 : vector<16xf32>
      %mul3A_463 = arith.constant 8 : i32
      %mul3A_464 = arith.muli %scan3A_393, %mul3A_463 : i32
      %add3A_465 = arith.constant 3 : i32
      %add3A_466 = arith.addi %mul3A_464, %add3A_465 : i32
      %mul3A_467 = arith.constant 16 : i32
      %mul3A_468 = arith.muli %add3A_466, %mul3A_467 : i32
      %get3A_469 = arith.index_cast %mul3A_468 : i32 to index
      %get3A_470 = tpu.vector_load %arg5[%get3A_469] {strides = array<i32>} : memref<32768xf32, #tpu.memory_space<vmem>>, vector<16xf32>,
      %get3A_471 = vector.shape_cast %get3A_470 : vector<16xf32> to vector<16xf32>
      %gt3A_472 = vector.broadcast %scan3A_305#1 : f32 to vector<16xf32>
      %gt3A_473 = arith.cmpf ogt, %get3A_471, %gt3A_472 : vector<16xf32>
      %jit3A_474 = arith.constant 1.000000e+00 : f32
      %jit3A_475 = arith.constant 0.000000e+00 : f32
      %broadcast_in_dim3A_476 = vector.broadcast %jit3A_474 : f32 to vector<16xf32>
      %broadcast_in_dim3A_477 = vector.broadcast %jit3A_475 : f32 to vector<16xf32>
      %select_n3A_478 = arith.select %gt3A_473, %broadcast_in_dim3A_476, %broadcast_in_dim3A_477 : vector<16xi1>, vector<16xf32>
      %add3A_479 = arith.addf %scan3A_400, %select_n3A_478 : vector<16xf32>
      %jit3A_480 = arith.constant 0.000000e+00 : f32
      %broadcast_in_dim3A_481 = vector.broadcast %jit3A_480 : f32 to vector<16xf32>
      %select_n3A_482 = arith.select %gt3A_473, %get3A_471, %broadcast_in_dim3A_481 : vector<16xi1>, vector<16xf32>
      %add3A_483 = arith.addf %scan3A_401, %select_n3A_482 : vector<16xf32>
      %mul3A_484 = arith.constant 8 : i32
      %mul3A_485 = arith.muli %scan3A_393, %mul3A_484 : i32
      %add3A_486 = arith.constant 4 : i32
      %add3A_487 = arith.addi %mul3A_485, %add3A_486 : i32
      %mul3A_488 = arith.constant 16 : i32
      %mul3A_489 = arith.muli %add3A_487, %mul3A_488 : i32
      %get3A_490 = arith.index_cast %mul3A_489 : i32 to index
      %get3A_491 = tpu.vector_load %arg5[%get3A_490] {strides = array<i32>} : memref<32768xf32, #tpu.memory_space<vmem>>, vector<16xf32>,
      %get3A_492 = vector.shape_cast %get3A_491 : vector<16xf32> to vector<16xf32>
      %gt3A_493 = vector.broadcast %scan3A_305#1 : f32 to vector<16xf32>
      %gt3A_494 = arith.cmpf ogt, %get3A_492, %gt3A_493 : vector<16xf32>
      %jit3A_495 = arith.constant 1.000000e+00 : f32
      %jit3A_496 = arith.constant 0.000000e+00 : f32
      %broadcast_in_dim3A_497 = vector.broadcast %jit3A_495 : f32 to vector<16xf32>
      %broadcast_in_dim3A_498 = vector.broadcast %jit3A_496 : f32 to vector<16xf32>
      %select_n3A_499 = arith.select %gt3A_494, %broadcast_in_dim3A_497, %broadcast_in_dim3A_498 : vector<16xi1>, vector<16xf32>
      %add3A_500 = arith.addf %add3A_416, %select_n3A_499 : vector<16xf32>
      %jit3A_501 = arith.constant 0.000000e+00 : f32
      %broadcast_in_dim3A_502 = vector.broadcast %jit3A_501 : f32 to vector<16xf32>
      %select_n3A_503 = arith.select %gt3A_494, %get3A_492, %broadcast_in_dim3A_502 : vector<16xi1>, vector<16xf32>
      %add3A_504 = arith.addf %add3A_420, %select_n3A_503 : vector<16xf32>
      %mul3A_505 = arith.constant 8 : i32
      %mul3A_506 = arith.muli %scan3A_393, %mul3A_505 : i32
      %add3A_507 = arith.constant 5 : i32
      %add3A_508 = arith.addi %mul3A_506, %add3A_507 : i32
      %mul3A_509 = arith.constant 16 : i32
      %mul3A_510 = arith.muli %add3A_508, %mul3A_509 : i32
      %get3A_511 = arith.index_cast %mul3A_510 : i32 to index
      %get3A_512 = tpu.vector_load %arg5[%get3A_511] {strides = array<i32>} : memref<32768xf32, #tpu.memory_space<vmem>>, vector<16xf32>,
      %get3A_513 = vector.shape_cast %get3A_512 : vector<16xf32> to vector<16xf32>
      %gt3A_514 = vector.broadcast %scan3A_305#1 : f32 to vector<16xf32>
      %gt3A_515 = arith.cmpf ogt, %get3A_513, %gt3A_514 : vector<16xf32>
      %jit3A_516 = arith.constant 1.000000e+00 : f32
      %jit3A_517 = arith.constant 0.000000e+00 : f32
      %broadcast_in_dim3A_518 = vector.broadcast %jit3A_516 : f32 to vector<16xf32>
      %broadcast_in_dim3A_519 = vector.broadcast %jit3A_517 : f32 to vector<16xf32>
      %select_n3A_520 = arith.select %gt3A_515, %broadcast_in_dim3A_518, %broadcast_in_dim3A_519 : vector<16xi1>, vector<16xf32>
      %add3A_521 = arith.addf %add3A_437, %select_n3A_520 : vector<16xf32>
      %jit3A_522 = arith.constant 0.000000e+00 : f32
      %broadcast_in_dim3A_523 = vector.broadcast %jit3A_522 : f32 to vector<16xf32>
      %select_n3A_524 = arith.select %gt3A_515, %get3A_513, %broadcast_in_dim3A_523 : vector<16xi1>, vector<16xf32>
      %add3A_525 = arith.addf %add3A_441, %select_n3A_524 : vector<16xf32>
      %mul3A_526 = arith.constant 8 : i32
      %mul3A_527 = arith.muli %scan3A_393, %mul3A_526 : i32
      %add3A_528 = arith.constant 6 : i32
      %add3A_529 = arith.addi %mul3A_527, %add3A_528 : i32
      %mul3A_530 = arith.constant 16 : i32
      %mul3A_531 = arith.muli %add3A_529, %mul3A_530 : i32
      %get3A_532 = arith.index_cast %mul3A_531 : i32 to index
      %get3A_533 = tpu.vector_load %arg5[%get3A_532] {strides = array<i32>} : memref<32768xf32, #tpu.memory_space<vmem>>, vector<16xf32>,
      %get3A_534 = vector.shape_cast %get3A_533 : vector<16xf32> to vector<16xf32>
      %gt3A_535 = vector.broadcast %scan3A_305#1 : f32 to vector<16xf32>
      %gt3A_536 = arith.cmpf ogt, %get3A_534, %gt3A_535 : vector<16xf32>
      %jit3A_537 = arith.constant 1.000000e+00 : f32
      %jit3A_538 = arith.constant 0.000000e+00 : f32
      %broadcast_in_dim3A_539 = vector.broadcast %jit3A_537 : f32 to vector<16xf32>
      %broadcast_in_dim3A_540 = vector.broadcast %jit3A_538 : f32 to vector<16xf32>
      %select_n3A_541 = arith.select %gt3A_536, %broadcast_in_dim3A_539, %broadcast_in_dim3A_540 : vector<16xi1>, vector<16xf32>
      %add3A_542 = arith.addf %add3A_458, %select_n3A_541 : vector<16xf32>
      %jit3A_543 = arith.constant 0.000000e+00 : f32
      %broadcast_in_dim3A_544 = vector.broadcast %jit3A_543 : f32 to vector<16xf32>
      %select_n3A_545 = arith.select %gt3A_536, %get3A_534, %broadcast_in_dim3A_544 : vector<16xi1>, vector<16xf32>
      %add3A_546 = arith.addf %add3A_462, %select_n3A_545 : vector<16xf32>
      %mul3A_547 = arith.constant 8 : i32
      %mul3A_548 = arith.muli %scan3A_393, %mul3A_547 : i32
      %add3A_549 = arith.constant 7 : i32
      %add3A_550 = arith.addi %mul3A_548, %add3A_549 : i32
      %mul3A_551 = arith.constant 16 : i32
      %mul3A_552 = arith.muli %add3A_550, %mul3A_551 : i32
      %get3A_553 = arith.index_cast %mul3A_552 : i32 to index
      %get3A_554 = tpu.vector_load %arg5[%get3A_553] {strides = array<i32>} : memref<32768xf32, #tpu.memory_space<vmem>>, vector<16xf32>,
      %get3A_555 = vector.shape_cast %get3A_554 : vector<16xf32> to vector<16xf32>
      %gt3A_556 = vector.broadcast %scan3A_305#1 : f32 to vector<16xf32>
      %gt3A_557 = arith.cmpf ogt, %get3A_555, %gt3A_556 : vector<16xf32>
      %jit3A_558 = arith.constant 1.000000e+00 : f32
      %jit3A_559 = arith.constant 0.000000e+00 : f32
      %broadcast_in_dim3A_560 = vector.broadcast %jit3A_558 : f32 to vector<16xf32>
      %broadcast_in_dim3A_561 = vector.broadcast %jit3A_559 : f32 to vector<16xf32>
      %select_n3A_562 = arith.select %gt3A_557, %broadcast_in_dim3A_560, %broadcast_in_dim3A_561 : vector<16xi1>, vector<16xf32>
      %add3A_563 = arith.addf %add3A_479, %select_n3A_562 : vector<16xf32>
      %jit3A_564 = arith.constant 0.000000e+00 : f32
      %broadcast_in_dim3A_565 = vector.broadcast %jit3A_564 : f32 to vector<16xf32>
      %select_n3A_566 = arith.select %gt3A_557, %get3A_555, %broadcast_in_dim3A_565 : vector<16xi1>, vector<16xf32>
      %add3A_567 = arith.addf %add3A_483, %select_n3A_566 : vector<16xf32>
      scf.yield %add3A_500, %add3A_504, %add3A_521, %add3A_525, %add3A_542, %add3A_546, %add3A_563, %add3A_567 : vector<16xf32>, vector<16xf32>, vector<16xf32>, vector<16xf32>, vector<16xf32>, vector<16xf32>, vector<16xf32>, vector<16xf32>
    }
    %scan3A_312 = arith.constant 256 : i32
    %add3A_313 = arith.addf %scan3A_311#0, %scan3A_311#2 : vector<16xf32>
    %add3A_314 = arith.addf %scan3A_311#4, %scan3A_311#6 : vector<16xf32>
    %add3A_315 = arith.addf %add3A_313, %add3A_314 : vector<16xf32>
    %iota3A_316 = tpu.iota {dimensions = array<i32: 0>} : vector<16xi32>
    %xor3A_317 = arith.constant 8 : i32
    %xor3A_318 = vector.broadcast %xor3A_317 : i32 to vector<16xi32>
    %xor3A_319 = arith.xori %iota3A_316, %xor3A_318 : vector<16xi32>
    %broadcast_in_dim3A_320 = vector.shape_cast %xor3A_319 : vector<16xi32> to vector<16x1xi32>
    %gather3A_321 = vector.shape_cast %broadcast_in_dim3A_320 : vector<16x1xi32> to vector<16xi32>
    %gather3A_322 = tpu.dynamic_gather %add3A_315[%gather3A_321] in [0] : vector<16xf32>, vector<16xi32> -> vector<16xf32>
    %add3A_323 = arith.addf %add3A_315, %gather3A_322 : vector<16xf32>
    %xor3A_324 = arith.constant 4 : i32
    %xor3A_325 = vector.broadcast %xor3A_324 : i32 to vector<16xi32>
    %xor3A_326 = arith.xori %iota3A_316, %xor3A_325 : vector<16xi32>
    %broadcast_in_dim3A_327 = vector.shape_cast %xor3A_326 : vector<16xi32> to vector<16x1xi32>
    %gather3A_328 = vector.shape_cast %broadcast_in_dim3A_327 : vector<16x1xi32> to vector<16xi32>
    %gather3A_329 = tpu.dynamic_gather %add3A_323[%gather3A_328] in [0] : vector<16xf32>, vector<16xi32> -> vector<16xf32>
    %add3A_330 = arith.addf %add3A_323, %gather3A_329 : vector<16xf32>
    %xor3A_331 = arith.constant 2 : i32
    %xor3A_332 = vector.broadcast %xor3A_331 : i32 to vector<16xi32>
    %xor3A_333 = arith.xori %iota3A_316, %xor3A_332 : vector<16xi32>
    %broadcast_in_dim3A_334 = vector.shape_cast %xor3A_333 : vector<16xi32> to vector<16x1xi32>
    %gather3A_335 = vector.shape_cast %broadcast_in_dim3A_334 : vector<16x1xi32> to vector<16xi32>
    %gather3A_336 = tpu.dynamic_gather %add3A_330[%gather3A_335] in [0] : vector<16xf32>, vector<16xi32> -> vector<16xf32>
    %add3A_337 = arith.addf %add3A_330, %gather3A_336 : vector<16xf32>
    %xor3A_338 = arith.constant 1 : i32
    %xor3A_339 = vector.broadcast %xor3A_338 : i32 to vector<16xi32>
    %xor3A_340 = arith.xori %iota3A_316, %xor3A_339 : vector<16xi32>
    %broadcast_in_dim3A_341 = vector.shape_cast %xor3A_340 : vector<16xi32> to vector<16x1xi32>
    %gather3A_342 = vector.shape_cast %broadcast_in_dim3A_341 : vector<16x1xi32> to vector<16xi32>
    %gather3A_343 = tpu.dynamic_gather %add3A_337[%gather3A_342] in [0] : vector<16xf32>, vector<16xi32> -> vector<16xf32>
    %add3A_344 = arith.addf %add3A_337, %gather3A_343 : vector<16xf32>
    %slice3A_345 = vector.extract_strided_slice %add3A_344 {offsets = [0], sizes = [1], strides = [1]} : vector<16xf32> to vector<1xf32>
    %squeeze3A_346 = vector.extract %slice3A_345[0] : f32 from vector<1xf32>
    %add3A_347 = arith.addf %scan3A_311#1, %scan3A_311#3 : vector<16xf32>
    %add3A_348 = arith.addf %scan3A_311#5, %scan3A_311#7 : vector<16xf32>
    %add3A_349 = arith.addf %add3A_347, %add3A_348 : vector<16xf32>
    %iota3A_350 = tpu.iota {dimensions = array<i32: 0>} : vector<16xi32>
    %xor3A_351 = arith.constant 8 : i32
    %xor3A_352 = vector.broadcast %xor3A_351 : i32 to vector<16xi32>
    %xor3A_353 = arith.xori %iota3A_350, %xor3A_352 : vector<16xi32>
    %broadcast_in_dim3A_354 = vector.shape_cast %xor3A_353 : vector<16xi32> to vector<16x1xi32>
    %gather3A_355 = vector.shape_cast %broadcast_in_dim3A_354 : vector<16x1xi32> to vector<16xi32>
    %gather3A_356 = tpu.dynamic_gather %add3A_349[%gather3A_355] in [0] : vector<16xf32>, vector<16xi32> -> vector<16xf32>
    %add3A_357 = arith.addf %add3A_349, %gather3A_356 : vector<16xf32>
    %xor3A_358 = arith.constant 4 : i32
    %xor3A_359 = vector.broadcast %xor3A_358 : i32 to vector<16xi32>
    %xor3A_360 = arith.xori %iota3A_350, %xor3A_359 : vector<16xi32>
    %broadcast_in_dim3A_361 = vector.shape_cast %xor3A_360 : vector<16xi32> to vector<16x1xi32>
    %gather3A_362 = vector.shape_cast %broadcast_in_dim3A_361 : vector<16x1xi32> to vector<16xi32>
    %gather3A_363 = tpu.dynamic_gather %add3A_357[%gather3A_362] in [0] : vector<16xf32>, vector<16xi32> -> vector<16xf32>
    %add3A_364 = arith.addf %add3A_357, %gather3A_363 : vector<16xf32>
    %xor3A_365 = arith.constant 2 : i32
    %xor3A_366 = vector.broadcast %xor3A_365 : i32 to vector<16xi32>
    %xor3A_367 = arith.xori %iota3A_350, %xor3A_366 : vector<16xi32>
    %broadcast_in_dim3A_368 = vector.shape_cast %xor3A_367 : vector<16xi32> to vector<16x1xi32>
    %gather3A_369 = vector.shape_cast %broadcast_in_dim3A_368 : vector<16x1xi32> to vector<16xi32>
    %gather3A_370 = tpu.dynamic_gather %add3A_364[%gather3A_369] in [0] : vector<16xf32>, vector<16xi32> -> vector<16xf32>
    %add3A_371 = arith.addf %add3A_364, %gather3A_370 : vector<16xf32>
    %xor3A_372 = arith.constant 1 : i32
    %xor3A_373 = vector.broadcast %xor3A_372 : i32 to vector<16xi32>
    %xor3A_374 = arith.xori %iota3A_350, %xor3A_373 : vector<16xi32>
    %broadcast_in_dim3A_375 = vector.shape_cast %xor3A_374 : vector<16xi32> to vector<16x1xi32>
    %gather3A_376 = vector.shape_cast %broadcast_in_dim3A_375 : vector<16x1xi32> to vector<16xi32>
    %gather3A_377 = tpu.dynamic_gather %add3A_371[%gather3A_376] in [0] : vector<16xf32>, vector<16xi32> -> vector<16xf32>
    %add3A_378 = arith.addf %add3A_371, %gather3A_377 : vector<16xf32>
    %slice3A_379 = vector.extract_strided_slice %add3A_378 {offsets = [0], sizes = [1], strides = [1]} : vector<16xf32> to vector<1xf32>
    %squeeze3A_380 = vector.extract %slice3A_379[0] : f32 from vector<1xf32>
    %sub3A_381 = arith.constant 8.192000e+03 : f32
    %sub3A_382 = arith.subf %sub3A_381, %squeeze3A_346 : f32
    %mul3A_383 = arith.mulf %sub3A_382, %scan3A_305#1 : f32
    %add3A_384 = arith.addf %squeeze3A_380, %mul3A_383 : f32
    %add3A_385 = arith.addf %add3A_196, %add3A_384 : f32
    %eq3A = arith.constant 0 : i32
    %eq3A_386 = vector.broadcast %eq3A : i32 to vector<16xi32>
    %eq3A_387 = arith.cmpi eq, %iota3A, %eq3A_386 : vector<16xi32>
    %jit3A = arith.constant 0.000000e+00 : f32
    %broadcast_in_dim3A_388 = vector.broadcast %add3A_385 : f32 to vector<16xf32>
    %broadcast_in_dim3A_389 = vector.broadcast %jit3A : f32 to vector<16xf32>
    %select_n3A = arith.select %eq3A_387, %broadcast_in_dim3A_388, %broadcast_in_dim3A_389 : vector<16xi1>, vector<16xf32>
    %swap3A = arith.constant 0 : index
    %swap3A_390 = tpu.vector_load %arg6[%swap3A] {strides = array<i32>} : memref<16xf32, #tpu.memory_space<vmem>>, vector<16xf32>,
    %swap3A_391 = vector.shape_cast %swap3A_390 : vector<16xf32> to vector<16xf32>
    %swap3A_392 = vector.shape_cast %select_n3A : vector<16xf32> to vector<16xf32>
    tpu.vector_store %arg6[%swap3A], %swap3A_392 {strides = array<i32>} : memref<16xf32, #tpu.memory_space<vmem>>, vector<16xf32>,
    "tpu.region"() ({
      %run_scoped3A = tpu.sem_alloc : memref<!tpu.dma_semaphore, #tpu.memory_space<semaphore_mem>>
      %dma_start3A_393 = arith.constant 0 : i32
      %dma_start3A_394 = tpu.memref_slice %arg3[%add3A, %dma_start3A_393] : memref<32x16xf32, #tpu.memory_space<hbm>> -> memref<1x16xf32, #tpu.memory_space<hbm>>
      %dma_start3A_395 = tpu.memref_squeeze %dma_start3A_394 : memref<1x16xf32, #tpu.memory_space<hbm>> -> memref<16xf32, #tpu.memory_space<hbm>>
      %dma_start3A_396 = arith.constant 0 : i32
      %dma_start3A_397 = tpu.memref_slice %arg3[%add3A, %dma_start3A_396] : memref<32x16xf32, #tpu.memory_space<hbm>> -> memref<1x16xf32, #tpu.memory_space<hbm>>
      %dma_start3A_398 = tpu.memref_squeeze %dma_start3A_397 : memref<1x16xf32, #tpu.memory_space<hbm>> -> memref<16xf32, #tpu.memory_space<hbm>>
      tpu.enqueue_dma source(%arg6 : memref<16xf32, #tpu.memory_space<vmem>>) target(%dma_start3A_398 : memref<16xf32, #tpu.memory_space<hbm>>) target_semaphore(%run_scoped3A : memref<!tpu.dma_semaphore, #tpu.memory_space<semaphore_mem>>)
      %dma_wait3A_399 = arith.constant 0 : i32
      %dma_wait3A_400 = tpu.memref_slice %arg3[%add3A, %dma_wait3A_399] : memref<32x16xf32, #tpu.memory_space<hbm>> -> memref<1x16xf32, #tpu.memory_space<hbm>>
      %dma_wait3A_401 = tpu.memref_squeeze %dma_wait3A_400 : memref<1x16xf32, #tpu.memory_space<hbm>> -> memref<16xf32, #tpu.memory_space<hbm>>
      %dma_wait3A_402 = arith.constant 0 : i32
      %dma_wait3A_403 = tpu.memref_slice %arg3[%add3A, %dma_wait3A_402] : memref<32x16xf32, #tpu.memory_space<hbm>> -> memref<1x16xf32, #tpu.memory_space<hbm>>
      %dma_wait3A_404 = tpu.memref_squeeze %dma_wait3A_403 : memref<1x16xf32, #tpu.memory_space<hbm>> -> memref<16xf32, #tpu.memory_space<hbm>>
      tpu.wait_dma2 semaphore(%run_scoped3A : memref<!tpu.dma_semaphore, #tpu.memory_space<semaphore_mem>>) src(%arg6 : memref<16xf32, #tpu.memory_space<vmem>>) dst(%dma_wait3A_404 : memref<16xf32, #tpu.memory_space<hbm>>)
      tpu.yield
    }) : () -> ()
    return
  }
}

</mosaic_0001>

<sc_bundles>
// kernel: kernel.3.cloned.1.call-start
scs
__scs_entry_jumppad:
0x0: {  	(pc) =	sbr.rel $0x88, $3  }
0x1: {  	(tag) =	ssettag $0x0;
	lr =	simm.s32 $0x1  }
0x2: {  	[smem:$0x3FA0] =	sst lr;
	_ =	strace $0xD0000000  }
0x3: {  	_ = 	snop  }
0x4: {  	_ = 	snop  }
0x5: {  	_ = 	snop  }
0x6: {  	_ = 	snop  }
0x7: {  	_ = 	snop  }
__scs_overlays_trampoline_lowered:
0x8: {  	[smem:$0x3FAF] =	sst s0  }
0x9: {  	[smem:$0x3FB0] =	sst s1  }
0xa: {  	[smem:$0x3FB1] =	sst s2  }
0xb: {  	[smem:$0x3FB2] =	sst s3  }
0xc: {  	[smem:$0x3FB3] =	sst s4  }
0xd: {  	[smem:$0x3FB4] =	sst s5  }
0xe: {  	[smem:$0x3FB5] =	sst s6  }
0xf: {  	[smem:$0x3FB6] =	sst s7  }
0x10: {  	[smem:$0x3FB7] =	sst s8  }
0x11: {  	[smem:$0x3FB8] =	sst s9;
	s0 =	simm.s32 @!p0 $0x0  }
0x12: {  	s1 =	sld [smem:$0x3F9E];
	s0 =	simm.s32 @p0 $0x1  }
0x13: {  	[smem:$0x3FB9] =	sst s0;
	s0 =	simm.s32 @!p1 $0x0  }
0x14: {  	s2 =	sld [smem:$0x3F9D];
	s0 =	simm.s32 @p1 $0x1  }
0x15: {  	[smem:$0x3FBA] =	sst s0;
	s0 =	simm.s32 @!p2 $0x0  }
0x16: {  	s3 =	sld [smem:$0x3FDB];
	s0 =	simm.s32 @p2 $0x1  }
0x17: {  	s4 =	simm.s32 $0x1BF5;
	[smem:$0x3FBC] =	sst s0  }
0x18: {  	s0 =	sld [smem:$0x3F9F];
	_ =	swait.ge [sflag:s4], $0x0  }
0x19: {  	s7 =	sld [smem:$0x3FA0]  }
0x1a: {  	s8 =	sadd.s32 $0xFFFFE003, lr  }
0x1b: {  	s9 =	sadd.s32 $0xFFFFFEF7, lr;
	s5 =	simm.s32 $0xFFFFFFFF;
	p2 =	slt.u32 s8, $0xFFFFF086  }
0x1c: {  	p1 =	slt.u32 s9, $0xF7A;
	s5 =	simm.s32 @!p2 $0x0  }
0x1d: {  	s5 =	simm.s32 @p1 $0x1;
	p0 =	seq.s32 s7, s2  }
0x1e: {  	s7 =	smul.u32 @!p0 $0xF7A, s2;
	p2 =	seq.s32 @!p0 s5, $0x0  }
0x1f: {  	s9 =	smul.u32 $0xF7A, s1;
	s8 =	simm.s32 @!p0 $0x1BF5;
	p2 =	por !p2, p0  }
0x20: {  	[sflag:s8] =	ssyncset.s32 @!p0 $0xFFFFF086;
	s6 =	sadd.s32 @!p0 s3, s7;
	s7 =	simm.s32 @!p0 $0x108  }
0x21: {  	s3 =	sadd.s32 s3, s9;
	s6 =	sadd.s32 @!p0 $0x88, s6;
	s7 =	simm.s32 @p2 $0x1082  }
0x22: {  	[simem:s7], [sflag:s8] =	dma.local @!p0 [hbm:s6], $0xF7A  }
0x23: {  	s9 =	sor.u32 $0xD0000000, s2;
	s6 =	simm.s32 $0x108;
	_ =	swait.ge @!p0 [sflag:s8], $0x0  }
0x24: {  	s3 =	sadd.s32 $0x88, s3;
	s6 =	simm.s32 @!p1 $0x1082;
	[sflag:s4] =	ssyncset.s32 $0xFFFFF086  }
0x25: {  	[simem:s6], [sflag:s4] =	dma.local [hbm:s3], $0xF7A  }
0x26: {  	[smem:$0x3FA0] =	sst s1;
	(tag) =	ssettag s2;
	_ =	strace s9  }
0x27: {  	s1 =	sld [smem:$0x3FB0]  }
0x28: {  	s2 =	sld [smem:$0x3FB1]  }
0x29: {  	s4 =	sld [smem:$0x3FB3]  }
0x2a: {  	p0 =	seq.s32 s5, $0x0;
	s5 =	sld [smem:$0x3FB4]  }
0x2b: {  	s6 =	sld [smem:$0x3FB5]  }
0x2c: {  	s7 =	sld [smem:$0x3FB6]  }
0x2d: {  	s3 =	simm.s32 $0x108;
	s8 =	sld [smem:$0x3FB7]  }
0x2e: {  	s3 =	simm.s32 @!p0 $0x1082;
	s9 =	sld [smem:$0x3FB8]  }
0x2f: {  	lr =	sadd.s32 s0, s3;
	s0 =	sld [smem:$0x3FAF]  }
0x30: {  	s3 =	sld [smem:$0x3FB2]  }
0x31: {  	[smem:$0x3FBB] =	sst s10  }
0x32: {  	s10 =	sld [smem:$0x3FB9];
	_ =	sdelay $0x3  }
0x33: {  	p0 =	seq.s32 s10, $0x1;
	s10 =	sld [smem:$0x3FBB];
	_ =	sdelay $0x3  }
0x34: {  	[smem:$0x3FBB] =	sst s10  }
0x35: {  	s10 =	sld [smem:$0x3FBA];
	_ =	sdelay $0x3  }
0x36: {  	p1 =	seq.s32 s10, $0x1;
	s10 =	sld [smem:$0x3FBB];
	_ =	sdelay $0x3  }
0x37: {  	[smem:$0x3FBB] =	sst s10  }
0x38: {  	s10 =	sld [smem:$0x3FBC]  }
0x39: {  	_ = 	snop;
	(pc) =	sbr.ind lr, $3  }
0x3a: {  	_ = 	snop  }
0x3b: {  	_ = 	snop  }
0x3c: {  	p2 =	seq.s32 s10, $0x1;
	s10 =	sld [smem:$0x3FBB]  }
0x3d: {  	_ =	shalt  }
0x3e: {  	_ =	shalt  }
0x3f: {  	_ =	shalt  }
0x40: {  	_ =	shalt  }
0x41: {  	_ =	shalt  }
0x42: {  	_ =	shalt  }
0x43: {  	_ =	shalt  }
0x44: {  	_ =	shalt  }
0x45: {  	_ =	shalt  }
0x46: {  	_ =	shalt  }
0x47: {  	_ =	shalt  }
0x48: {  	_ =	shalt  }
0x49: {  	_ =	shalt  }
0x4a: {  	_ =	shalt  }
0x4b: {  	_ =	shalt  }
0x4c: {  	_ =	shalt  }
0x4d: {  	_ =	shalt  }
0x4e: {  	_ =	shalt  }
0x4f: {  	_ =	shalt  }
0x50: {  	_ =	shalt  }
0x51: {  	_ =	shalt  }
0x52: {  	_ =	shalt  }
0x53: {  	_ =	shalt  }
0x54: {  	_ =	shalt  }
0x55: {  	_ =	shalt  }
0x56: {  	_ =	shalt  }
0x57: {  	_ =	shalt  }
0x58: {  	_ =	shalt  }
0x59: {  	_ =	shalt  }
0x5a: {  	_ =	shalt  }
0x5b: {  	_ =	shalt  }
0x5c: {  	_ =	shalt  }
0x5d: {  	_ =	shalt  }
0x5e: {  	_ =	shalt  }
0x5f: {  	_ =	shalt  }
0x60: {  	_ =	shalt  }
0x61: {  	_ =	shalt  }
0x62: {  	_ =	shalt  }
0x63: {  	_ =	shalt  }
0x64: {  	_ =	shalt  }
0x65: {  	_ =	shalt  }
0x66: {  	_ =	shalt  }
0x67: {  	_ =	shalt  }
0x68: {  	_ =	shalt  }
0x69: {  	_ =	shalt  }
0x6a: {  	_ =	shalt  }
0x6b: {  	_ =	shalt  }
0x6c: {  	_ =	shalt  }
0x6d: {  	_ =	shalt  }
0x6e: {  	_ =	shalt  }
0x6f: {  	_ =	shalt  }
0x70: {  	_ =	shalt  }
0x71: {  	_ =	shalt  }
0x72: {  	_ =	shalt  }
0x73: {  	_ =	shalt  }
0x74: {  	_ =	shalt  }
0x75: {  	_ =	shalt  }
0x76: {  	_ =	shalt  }
0x77: {  	_ =	shalt  }
0x78: {  	_ =	shalt  }
0x79: {  	_ =	shalt  }
0x7a: {  	_ =	shalt  }
0x7b: {  	_ =	shalt  }
0x7c: {  	_ =	shalt  }
0x7d: {  	_ =	shalt  }
0x7e: {  	_ =	shalt  }
0x7f: {  	_ =	shalt  }
0x80: {  	_ =	shalt  }
0x81: {  	_ =	shalt  }
0x82: {  	_ =	shalt  }
0x83: {  	_ =	shalt  }
0x84: {  	_ =	shalt  }
0x85: {  	_ =	shalt  }
0x86: {  	_ =	shalt  }
0x87: {  	_ =	shalt  }
.Lfunc_end0:
.L_simem_size_0:
called_computation_lowered:
.L_overlay_start_0:
0x88: {  	s2 =	sld [smem:$0x3FD9]  }
0x89: {  	s3 =	sld [smem:$0x3FFE];
	_ =	sdelay $0x1  }
0x8a: {  	s1 =	srdreg.scid  }
0x8b: {  	s0 =	sand.u32 $0x1, s1  }
0x8c: {  	s17 =	sshll.u32 s0, $0xA;
	s2 =	sadd.s32 s3, s2  }
0x8d: {  	s2 =	sadd.s32 s2, s17  }
0x8e: {  	[smem:$0x3FC7] =	sst s2  }
0x8f: {  	_ = 	snop  }
0x90: {  	s2 =	sld [smem:$0x3FC9];
	(tm) =	ssettm $0x1  }
0x91: {  	s18 =	sld [smem:$0x3FFB];
	_ =	sdelay $0x3  }
0x92: {  	_ =	strace s18  }
0x93: {  	s3 =	sld [smem:$0x3FFC];
	_ =	sdelay $0x3  }
0x94: {  	_ =	strace s3  }
0x95: {  	s3 =	sld [smem:$0x3FFD];
	_ =	sdelay $0x3  }
0x96: {  	_ =	strace s3  }
0x97: {  	_ =	strace $0x8FFFFFFF  }
0x98: {  	s19 =	sld [smem:$0x3FDB];
	_ =	sdelay $0x1  }
0x99: {  	s4 =	simm.s32 $_scs_section_size  }
0x9a: {  	s5 =	simm.s32 $_size__tile_overlayer_lowered;
	s6 =	simm.s32 $_tile_overlayer_lowered  }
0x9b: {  	s22 =	simm.s32 $0x1BFF;
	s21 =	sshll.u32 s6, $0x1;
	s3 =	sadd.s32 s4, s19  }
0x9c: {  	s7 =	simm.s32 $0x0;
	s20 =	sshll.u32 s5, $0x1;
	s5 =	sadd.s32 s21, s3  }
0x9d: {  	[timem:s7], [sflag:s22] =	dma.local [hbm:s5], s20  }
0x9e: {  	_ =	swait.ge [sflag:s22], s20  }
0x9f: {  	s4 =	ssub.s32 $0x0, s20;
	[sflag:s22] =	ssyncset.done $0x0  }
0xa0: {  	[sflag:s22] =	ssyncadd.s32 s4;
	_ =	sdelay $0x1  }
0xa1: {  	s23 =	simm.s32 $0x1B8B  }
0xa2: {  	_ =	swait.ge [sflag:s23], $0x1  }
0xa3: {  	[sflag:s23] =	ssyncset.done $0x0  }
0xa4: {  	s25 =	simm.s32 $0x1B8E;
	s24 =	sld [smem:$0x3FFE];
	[sflag:s23] =	ssyncadd.s32 $0xFFFFFFFF  }
0xa5: {  	s26 =	simm.s32 $execute0_lowered;
	[smem:$0x3FD2] =	sst s25  }
0xa6: {  	s5 =	sshll.u32 s26, $0x1;
	_ =	strace $0x80000046;
	[dreg:$0x1] =	wrdreg $0xFFFFFFFF  }
0xa7: {  	s28 =	simm.s32 $_size_execute0_lowered;
	s3 =	sadd.s32 s3, s5;
	[dreg:$0x0] =	wrdreg $0x0  }
0xa8: {  	s5 =	sshll.u32 s28, $0x1;
	[dreg:$0x2] =	wrdreg s3  }
0xa9: {  	[dreg:$0x3] =	wrdreg s5  }
0xaa: {  	[dreg:$0x4] =	wrdreg $0xC0  }
0xab: {  	_ =	task [dreg:s7], $0x5FFFF  }
0xac: {  	[dreg:$0x1] =	wrdreg $0xFFFFFFFF  }
0xad: {  	[dreg:$0x0] =	wrdreg $0x60  }
0xae: {  	[dreg:$0x2] =	wrdreg s2  }
0xaf: {  	[dreg:$0x3] =	wrdreg s24  }
0xb0: {  	[dreg:$0x4] =	wrdreg $0x9  }
0xb1: {  	_ =	task.clear_ibuf [dreg:s7], $0x5FFFF;
	_ =	strace $0x90000046  }
0xb2: {  	s29 =	simm.s32 $0x9;
	_ =	strace $0x80000048  }
0xb3: {  	_ =	swait.ge [sflag:s29], $0x1  }
0xb4: {  	[sflag:s29] =	ssyncadd.s32 $0xFFFFFFFF  }
0xb5: {  	_ =	strace $0x90000048  }
0xb6: {  	_ =	sfence  }
0xb7: {  	s30 =	sld [smem:$0x0];
	_ =	sdelay $0x2  }
0xb8: {  	s31 =	sshll.u32 s1, $0xD;
	s1 =	sshrl.u32 s1, $0x2  }
0xb9: {  	s3 =	sand.u32 $0x4000, s31;
	s1 =	sadd.s32 s1, s30  }
0xba: {  	s0 =	sor.u32 s3, s0;
	s1 =	sshll.u32 s1, $0x11  }
0xbb: {  	s0 =	sor.u32 s1, s0  }
0xbc: {  	s0 =	sadd.s32 $0x8F2B, s0  }
0xbd: {  	[sflag:s0] =	ssyncadd.remote.s32 $0x1  }
0xbe: {  	_ =	sfence.sel $0xFFFF  }
0xbf: {  	[dreg:$0x0] =	wrdreg $0xFFFFFFFF;
	(pc) =	sbr.abs _section_cstart, $3  }
0xc0: {  	[dreg:$0x1] =	wrdreg $0xFFFFFFFF  }
0xc1: {  	_ =	task.clear_ibuf [dreg:s7], $0x2FFFF;
	_ =	strace $0x9FFFFFFF  }
0xc2: {  	(tm) =	ssettm $0x7FFFFFFF  }
0xc3: {  	_ =	shalt  }
tec
execute0_lowered:
.L_overlay_start_1:
0x0: {  	(tag) =	ssettag $0x1  }
0x1: {  	v0 =	vimm.s32 $0x76543210;
	v1 =	vimm.s32 $0xFEDCBA98  }
0x2: {  	s3 =	rddreg [dreg:$0x0];
	s1 =	srdreg.scid;
	v2 =	vimm.s32 $0xBA98FEDC;
	v3 =	vimm.s32 $0x32107654;
	v4 =	vimm.s32 $0xDCFE98BA  }
0x3: {  	s0 =	stileid.u32;
	s5 =	rddreg [dreg:$0x1];
	v5 =	vimm.s32 $0x54761032;
	v6 =	vimm.s32 $0xEFCDAB89;
	v7 =	vimm.s32 $0x67452301  }
0x4: {  	s9 =	simm.s32 $0x8000;
	s10 =	simm.s32 $0x1;
	s11 =	simm.s32 $0x2;
	v0 =	vunpack.c.l.s4.s8 v0;
	v1 =	vunpack.c.l.s4.s8 v1;
	v2 =	vunpack.c.l.s4.s8 v2  }
0x5: {  	s12 =	simm.s32 $0x10000;
	s13 =	simm.s32 $0x3;
	s14 =	simm.s32 $0x0;
	v3 =	vunpack.c.l.s4.s8 v3;
	v4 =	vunpack.c.l.s4.s8 v4;
	v5 =	vunpack.c.l.s4.s8 v5  }
0x6: {  	s4 =	sand.u32 $0x1, s1;
	s2 =	sshll.u32 s0, $0x1;
	s1 =	rddreg [dreg:$0x2];
	v6 =	vunpack.c.l.s4.s8 v6;
	v7 =	vunpack.c.l.s4.s8 v7;
	v2 =	vunpack.c.0.s8.s32 v2  }
0x7: {  	s7 =	sshll.u32 s0, $0xE;
	s6 =	sor.u32 s4, s2;
	s2 =	simm.s32 $0x0;
	v3 =	vunpack.c.0.s8.s32 v3;
	v4 =	vunpack.c.0.s8.s32 v4;
	v5 =	vunpack.c.0.s8.s32 v5  }
0x8: {  	s4 =	ssub.s32 $0x2, s4;
	s8 =	sshll.u32 s6, $0x5;
	[smem:$0x7FF] =	sst s2;
	v8 =	vunpack.c.0.s8.s32 v1;
	v6 =	vunpack.c.0.s8.s32 v6;
	v7 =	vunpack.c.0.s8.s32 v7  }
0x9: {  	s30 =	sshrl.u32 s4, $0x1;
	s6 =	sshll.u32 s6, $0x4;
	v9 =	vunpack.c.0.s8.s32 v0;
	s7 =	sor.u32 s7, s8;
	v0 =	vcombine.low v3, v2  }
0xa: {  	_ =	strace $0x80000047;
	s31 =	ssub.s32 s4, s30;
	s7 =	sand.u32 $0x38060, s7;
	v1 =	vcombine.low v5, v4;
	v3 =	vand.u32 $0xF, v8;
	v2 =	vcombine.low v7, v6  }
0xb: {  	vm0 =	vcmask $0x300;
	s5 =	sadd.s32 s5, s6;
	s8 =	simm.s32 $0x400;
	v7 =	vimm.f32 $0.0e+00;
	s3 =	sadd.s32 s3, s7;
	v3 =	vcombine.low v3, v9  }
0xc: {  	s6 =	smax.u32 s31, $0x1;
	s7 =	simm.s32 $0x80;
	s4 =	sadd.s32 $0x10, s3;
	v4 =	vand.u32 $0xF, v0;
	v5 =	vand.u32 $0xF, v1;
	v6 =	vand.u32 $0xF, v2  }
.LBB2_1:
0xd: {  	[tilespmem:s2], [sflag:$0x1] =	stream.strided.gather [hbm4b:s3+s7], $0x8000, s8, s7, $0x38;
	[tilespmem:$0x10080] =	vst v63  }
0xe: {  	_ = 	snop  }
0xf: {  	[tilespmem:s9], [sflag:$0x2] =	stream.strided.gather [hbm4b:s4+s7], $0x8000, s8, s7, $0x38;
	[tilespmem:$0x10080] =	vst v63  }
0x10: {  	_ =	swait.ge [sflag:s10], $0x8000  }
0x11: {  	[sflag:s10] =	ssyncset.done $0x0  }
0x12: {  	s15 =	simm.s32 $0x0;
	[sflag:s10] =	ssyncadd.s32 $0xFFFF8000  }
0x13: {  	v10 =	vld [tilespmem:s15+$0x40]  }
0x14: {  	v11 =	vld [tilespmem:s15+$0x50]  }
0x15: {  	v21 =	vld [tilespmem:s15+$0x0]  }
0x16: {  	v14 =	vimm.f32 $+Inf;
	v15 =	vimm.f32 $-Inf;
	v17 =	vld [tilespmem:s15+$0x10]  }
0x17: {  	v16 =	vimm.f32 $+Inf;
	v18 =	vimm.f32 $-Inf;
	v19 =	vimm.f32 $+Inf;
	v8 =	vld [tilespmem:s15+$0x20]  }
0x18: {  	s16 =	simm.s32 $0x200;
	v12 =	vimm.f32 $-Inf;
	v20 =	vimm.f32 $+Inf;
	v13 =	vimm.f32 $-Inf;
	v9 =	vld [tilespmem:s15+$0x60]  }
.LBB2_2:
0x19: {  	p0 =	sne.s32 s16, $0x1FE00;
	v22 =	vld [tilespmem:s15+$0x30];
	v23 =	vmov v11  }
0x1a: {  	v11 =	vmin.f32 v14, v21;
	v15 =	vmax.f32 v15, v21;
	v24 =	vld [tilespmem:s15+$0x70];
	s15 =	sshra.s32 s16, $0x2  }
0x1b: {  	v14 =	vmin.f32 v11, v10;
	v15 =	vmax.f32 v15, v10;
	v10 =	vld [tilespmem:s15+$0x40]  }
.Ltmp0:
0x1c: {  	v16 =	vmin.f32 v16, v17;
	v17 =	vmax.f32 v18, v17;
	v11 =	vld [tilespmem:s15+$0x50];
	v19 =	vmin.f32 v19, v8;
	(pc) =	sbr.rel @p0 .LBB2_2-.Ltmp0, $4  }
0x1d: {  	v16 =	vmin.f32 v16, v23;
	v18 =	vmax.f32 v17, v23;
	v21 =	vld [tilespmem:s15+$0x0];
	v19 =	vmin.f32 v19, v9  }
0x1e: {  	v12 =	vmax.f32 v12, v8;
	v17 =	vld [tilespmem:s15+$0x10];
	v20 =	vmin.f32 v20, v22;
	v13 =	vmax.f32 v13, v22  }
0x1f: {  	v12 =	vmax.f32 v12, v9;
	v8 =	vld [tilespmem:s15+$0x20];
	v20 =	vmin.f32 v20, v24;
	v13 =	vmax.f32 v13, v24  }
0x20: {  	s16 =	sadd.s32 $0x200, s16;
	v9 =	vld [tilespmem:s15+$0x60]  }
0x21: {  	v22 =	vld [tilespmem:s15+$0x30]  }
0x22: {  	v23 =	vld [tilespmem:s15+$0x70];
	_ =	sdelay $0x1  }
0x23: {  	v14 =	vmin.f32 v14, v21;
	v15 =	vmax.f32 v15, v21  }
0x24: {  	v14 =	vmin.f32 v14, v10;
	v51 =	vmax.f32 v15, v10;
	v52 =	vmin.f32 v16, v17  }
0x25: {  	v53 =	vmax.f32 v18, v17;
	v54 =	vmin.f32 v19, v8;
	v55 =	vmin.f32 v20, v22  }
0x26: {  	v15 =	vmin.f32 v52, v11;
	v17 =	vmin.f32 v54, v9;
	v18 =	vmin.f32 v55, v23  }
0x27: {  	v56 =	vmax.f32 v53, v11;
	v14 =	vmin.f32 v14, v15;
	v57 =	vmin.f32 v17, v18  }
0x28: {  	v8 =	vmax.f32 v12, v8;
	v58 =	vmax.f32 v13, v22;
	v59 =	vmin.f32 v14, v57  }
0x29: {  	v8 =	vmax.f32 v8, v9;
	v60 =	vmax.f32 v58, v23;
	v61 =	vsub.f32 $0.0e+00, v59  }
0x2a: {  	v10 =	vmax.f32 v51, v56;
	v8 =	vmax.f32 v8, v60  }
0x2b: {  	v8 =	vmax.f32 v10, v8;
	v62 =	vperm.xlane v61, v3  }
0x2c: {  	v10 =	vperm.xlane v8, v3  }
0x2d: {  	v9 =	vmax.f32 v61, v62  }
0x2e: {  	v8 =	vmax.f32 v8, v10;
	v63 =	vperm.xlane v9, v4  }
0x2f: {  	v10 =	vperm.xlane v8, v4  }
0x30: {  	v9 =	vmax.f32 v9, v63  }
0x31: {  	v8 =	vmax.f32 v8, v10;
	v11 =	vperm.xlane v9, v5  }
0x32: {  	v10 =	vperm.xlane v8, v5  }
0x33: {  	v9 =	vmax.f32 v9, v11  }
0x34: {  	v8 =	vmax.f32 v8, v10;
	v11 =	vperm.xlane v9, v6  }
0x35: {  	v10 =	vperm.xlane v8, v6  }
0x36: {  	v9 =	vmax.f32 v9, v11  }
0x37: {  	v8 =	vmax.f32 v8, v10;
	(v2sf) =	vpush v9, $0x0  }
0x38: {  	(v2sf) =	vpush v8, $0x0;
	_ =	sdelay $0xd  }
0x39: {  	s31 =	spop (v2sf)  }
0x3a: {  	s17 =	simm.s32 $0x0;
	s16 =	ssub.f32 $0.0e+00, s31;
	s18 =	spop (v2sf)  }
.LBB2_4:
0x3b: {  	s20 =	simm.s32 $0x0  }
0x3c: {  	v9 =	vld [tilespmem:s20+$0x0]  }
0x3d: {  	s19 =	smul.f32 $5.000000000e-01, s18;
	v10 =	vld [tilespmem:s20+$0x70]  }
0x3e: {  	s15 =	smul.f32 $5.000000000e-01, s16;
	v12 =	vld [tilespmem:s20+$0x30]  }
0x3f: {  	v11 =	vld [tilespmem:s20+$0x20]  }
0x40: {  	v13 =	vld [tilespmem:s20+$0x40];
	s15 =	sadd.f32 s19, s15  }
0x41: {  	v14 =	vld [tilespmem:s20+$0x50]  }
0x42: {  	v15 =	vld [tilespmem:s20+$0x10];
	v8 =	vmov s15  }
0x43: {  	v19 =	vimm.f32 $0.0e+00;
	v16 =	vld [tilespmem:s20+$0x60];
	s19 =	simm.s32 $0x80;
	vm1 =	vgt.f32 v9, v8;
	vm2 =	vgt.f32 v12, v8  }
0x44: {  	v18 =	vld [tilespmem:s19+$0x0];
	vm3 =	vgt.f32 v11, v8;
	v9 =	vsel vm1, $0x3F800000, v7;
	vm1 =	vgt.f32 v10, v8  }
0x45: {  	v21 =	vld [tilespmem:s19+$0x70];
	v12 =	vsel vm2, $0x3F800000, v7;
	vm2 =	vgt.f32 v13, v8;
	v22 =	vsel vm3, $0x3F800000, v7  }
0x46: {  	v17 =	vadd.f32 v9, v19;
	v10 =	vsel vm1, $0x3F800000, v7;
	v9 =	vld [tilespmem:s19+$0x20];
	v12 =	vadd.f32 v12, v19  }
0x47: {  	v13 =	vld [tilespmem:s19+$0x30];
	v20 =	vsel vm2, $0x3F800000, v7;
	vm1 =	vgt.f32 v14, v8;
	vm2 =	vgt.f32 v15, v8  }
0x48: {  	v14 =	vld [tilespmem:s19+$0x40];
	v15 =	vadd.f32 v20, v17;
	v20 =	vsel vm2, $0x3F800000, v7;
	v17 =	vsel vm1, $0x3F800000, v7  }
0x49: {  	v11 =	vld [tilespmem:s19+$0x50];
	vm1 =	vgt.f32 v18, v8;
	vm2 =	vgt.f32 v16, v8;
	v20 =	vadd.f32 v20, v19  }
0x4a: {  	s20 =	simm.s32 $0x400;
	v16 =	vld [tilespmem:s19+$0x10];
	v18 =	vsel vm1, $0x3F800000, v7;
	vm1 =	vgt.f32 v21, v8;
	v19 =	vadd.f32 v22, v19  }
.LBB2_5:
0x4b: {  	p0 =	sne.s32 s20, $0x1FE00;
	v21 =	vld [tilespmem:s19+$0x60];
	s19 =	sshra.s32 s20, $0x2;
	s20 =	sadd.s32 $0x200, s20;
	v20 =	vadd.f32 v17, v20;
	v17 =	vsel vm2, $0x3F800000, v7;
	v12 =	vadd.f32 v10, v12;
	v22 =	vmovc v9  }
0x4c: {  	v15 =	vadd.f32 v18, v15;
	v23 =	vld [tilespmem:s19+$0x0];
	vm2 =	vgt.f32 v13, v8;
	v19 =	vadd.f32 v17, v19  }
0x4d: {  	v10 =	vsel vm1, $0x3F800000, v7;
	v24 =	vld [tilespmem:s19+$0x70];
	v13 =	vsel vm2, $0x3F800000, v7;
	vm2 =	vgt.f32 v14, v8  }
.Ltmp1:
0x4e: {  	v9 =	vld [tilespmem:s19+$0x20];
	v12 =	vadd.f32 v13, v12;
	v14 =	vsel vm2, $0x3F800000, v7;
	vm1 =	vgt.f32 v11, v8;
	(pc) =	sbr.rel @p0 .LBB2_5-.Ltmp1, $4  }
0x4f: {  	vm3 =	vgt.f32 v22, v8;
	v13 =	vld [tilespmem:s19+$0x30];
	vm2 =	vgt.f32 v16, v8;
	v15 =	vadd.f32 v14, v15  }
0x50: {  	v22 =	vsel vm3, $0x3F800000, v7;
	v17 =	vsel vm1, $0x3F800000, v7;
	v14 =	vld [tilespmem:s19+$0x40];
	v16 =	vsel vm2, $0x3F800000, v7  }
0x51: {  	vm2 =	vgt.f32 v21, v8;
	vm1 =	vgt.f32 v23, v8;
	v11 =	vld [tilespmem:s19+$0x50];
	v20 =	vadd.f32 v16, v20  }
0x52: {  	v19 =	vadd.f32 v22, v19;
	v18 =	vsel vm1, $0x3F800000, v7;
	v16 =	vld [tilespmem:s19+$0x10];
	vm1 =	vgt.f32 v24, v8  }
0x53: {  	_ = 	snop  }
0x54: {  	v17 =	vadd.f32 v17, v20;
	v53 =	vsel vm2, $0x3F800000, v7  }
0x55: {  	v21 =	vld [tilespmem:s19+$0x60];
	v10 =	vadd.f32 v10, v12;
	v54 =	vadd.f32 v18, v15;
	vm2 =	vgt.f32 v13, v8  }
0x56: {  	v57 =	vsel vm1, $0x3F800000, v7;
	v55 =	vadd.f32 v53, v19;
	v56 =	vsel vm2, $0x3F800000, v7  }
0x57: {  	vm2 =	vgt.f32 v14, v8;
	v10 =	vadd.f32 v56, v10;
	vm1 =	vgt.f32 v16, v8  }
0x58: {  	v58 =	vsel vm2, $0x3F800000, v7;
	vm2 =	vgt.f32 v9, v8;
	v59 =	vsel vm1, $0x3F800000, v7  }
0x59: {  	v60 =	vsel vm2, $0x3F800000, v7;
	vm1 =	vgt.f32 v11, v8;
	v9 =	vadd.f32 v59, v17  }
0x5a: {  	v61 =	vsel vm1, $0x3F800000, v7;
	vm1 =	vgt.f32 v21, v8;
	v8 =	vadd.f32 v60, v55  }
0x5b: {  	v62 =	vadd.f32 v58, v54;
	v10 =	vadd.f32 v57, v10;
	v63 =	vsel vm1, $0x3F800000, v7  }
0x5c: {  	v9 =	vadd.f32 v61, v9;
	v8 =	vadd.f32 v63, v8;
	_ =	sdelay $0x1  }
0x5d: {  	v9 =	vadd.f32 v9, v62;
	v8 =	vadd.f32 v10, v8;
	_ =	sdelay $0x1  }
0x5e: {  	v8 =	vadd.f32 v8, v9;
	_ =	sdelay $0x1  }
0x5f: {  	v9 =	vperm.xlane v8, v3;
	_ =	sdelay $0x1  }
0x60: {  	v8 =	vadd.f32 v9, v8;
	_ =	sdelay $0x1  }
0x61: {  	v9 =	vperm.xlane v8, v0;
	_ =	sdelay $0x1  }
0x62: {  	v8 =	vadd.f32 v9, v8;
	_ =	sdelay $0x1  }
0x63: {  	v9 =	vperm.xlane v8, v1;
	_ =	sdelay $0x1  }
0x64: {  	v8 =	vadd.f32 v9, v8;
	_ =	sdelay $0x1  }
0x65: {  	v9 =	vperm.xlane v8, v2;
	_ =	sdelay $0x1  }
0x66: {  	v8 =	vadd.f32 v9, v8;
	_ =	sdelay $0x1  }
0x67: {  	(v2sf) =	vpush v8, $0x0;
	_ =	sdelay $0xe  }
0x68: {  	s31 =	spop (v2sf)  }
0x69: {  	p0 =	sge.f32 s31, $8.192000000e+03  }
0x6a: {  	s17 =	sadd.s32 $0x1, s17  }
0x6b: {  	s16 =	smov.u32 @p0 s15;
	s15 =	smov.u32 @p0 s18;
	p0 =	seq.s32 s17, $0x18  }
.Ltmp2:
0x6c: {  	_ = 	snop;
	(pc) =	sbr.rel @!p0 .LBB2_4-.Ltmp2, $2  }
0x6d: {  	_ =	sdelay $0x2  }
0x6e: {  	s18 =	smov.u32 s15  }
0x6f: {  	s16 =	simm.s32 $0x0  }
0x70: {  	v9 =	vld [tilespmem:s16+$0x50]  }
0x71: {  	v12 =	vld [tilespmem:s16+$0x40]  }
0x72: {  	v15 =	vld [tilespmem:s16+$0x60]  }
0x73: {  	v11 =	vld [tilespmem:s16+$0x70]  }
0x74: {  	v16 =	vld [tilespmem:s16+$0x30]  }
0x75: {  	v14 =	vld [tilespmem:s16+$0x10]  }
0x76: {  	v18 =	vld [tilespmem:s16+$0x0]  }
0x77: {  	v10 =	vld [tilespmem:s16+$0x20]  }
0x78: {  	v8 =	vmov s15;
	v13 =	vimm.f32 $0.0e+00;
	v22 =	vimm.f32 $0.0e+00  }
0x79: {  	v23 =	vimm.f32 $0.0e+00;
	v20 =	vimm.f32 $0.0e+00;
	v21 =	vimm.f32 $0.0e+00  }
0x7a: {  	v19 =	vimm.f32 $0.0e+00;
	vm2 =	vgt.f32 v12, v8;
	vm1 =	vgt.f32 v15, v8  }
0x7b: {  	vm3 =	vgt.f32 v9, v8;
	vm5 =	vgt.f32 v11, v8;
	vm8 =	vgt.f32 v16, v8  }
0x7c: {  	vm6 =	vgt.f32 v14, v8;
	vm7 =	vgt.f32 v18, v8;
	vm4 =	vgt.f32 v10, v8  }
0x7d: {  	v9 =	vnsel vm3, $0x0, v9;
	v11 =	vnsel vm5, $0x0, v11;
	v25 =	vsel vm8, $0x3F800000, v7  }
0x7e: {  	v17 =	vnsel vm2, $0x0, v12;
	v26 =	vsel vm6, $0x3F800000, v7;
	v12 =	vnsel vm1, $0x0, v15  }
0x7f: {  	s16 =	simm.s32 $0x200;
	v24 =	vnsel vm8, $0x0, v16;
	v16 =	vimm.f32 $0.0e+00;
	v15 =	vimm.f32 $0.0e+00  }
.LBB2_8:
0x80: {  	s17 =	sshra.s32 s16, $0x2;
	p0 =	sne.s32 s16, $0x1FE00;
	s16 =	sadd.s32 $0x200, s16;
	v27 =	vsel vm7, $0x3F800000, v7;
	v13 =	vadd.f32 v26, v13;
	v26 =	vnsel vm6, $0x0, v14  }
0x81: {  	v23 =	vadd.f32 v25, v23;
	v25 =	vsel vm5, $0x3F800000, v7;
	v28 =	vld [tilespmem:s17+$0x50];
	v14 =	vadd.f32 v27, v22  }
0x82: {  	v18 =	vnsel vm7, $0x0, v18;
	v22 =	vsel vm2, $0x3F800000, v7;
	v27 =	vld [tilespmem:s17+$0x40]  }
0x83: {  	v23 =	vadd.f32 v25, v23;
	v29 =	vld [tilespmem:s17+$0x60];
	v22 =	vadd.f32 v22, v14;
	v14 =	vsel vm3, $0x3F800000, v7  }
0x84: {  	v18 =	vadd.f32 v18, v20;
	v20 =	vsel vm4, $0x3F800000, v7;
	v25 =	vld [tilespmem:s17+$0x70];
	v13 =	vadd.f32 v14, v13  }
0x85: {  	v10 =	vnsel vm4, $0x0, v10;
	v16 =	vadd.f32 v24, v16;
	v21 =	vadd.f32 v20, v21;
	v30 =	vld [tilespmem:s17+$0x30]  }
0x86: {  	v19 =	vadd.f32 v26, v19;
	v20 =	vadd.f32 v17, v18;
	v17 =	vsel vm1, $0x3F800000, v7;
	v14 =	vld [tilespmem:s17+$0x10]  }
0x87: {  	v15 =	vadd.f32 v10, v15;
	v16 =	vadd.f32 v11, v16;
	v18 =	vld [tilespmem:s17+$0x0];
	vm2 =	vgt.f32 v27, v8  }
0x88: {  	v19 =	vadd.f32 v9, v19;
	v21 =	vadd.f32 v17, v21;
	v10 =	vld [tilespmem:s17+$0x20];
	vm1 =	vgt.f32 v29, v8  }
.Ltmp3:
0x89: {  	v15 =	vadd.f32 v12, v15;
	vm3 =	vgt.f32 v28, v8;
	vm5 =	vgt.f32 v25, v8;
	(pc) =	sbr.rel @p0 .LBB2_8-.Ltmp3, $4  }
0x8a: {  	v9 =	vnsel vm3, $0x0, v28;
	vm8 =	vgt.f32 v30, v8;
	v11 =	vnsel vm5, $0x0, v25  }
0x8b: {  	v17 =	vnsel vm2, $0x0, v27;
	vm6 =	vgt.f32 v14, v8;
	v25 =	vsel vm8, $0x3F800000, v7  }
0x8c: {  	v12 =	vnsel vm1, $0x0, v29;
	vm7 =	vgt.f32 v18, v8;
	v26 =	vsel vm6, $0x3F800000, v7  }
0x8d: {  	v24 =	vnsel vm8, $0x0, v30;
	vm4 =	vgt.f32 v10, v8  }
0x8e: {  	v8 =	vsel vm7, $0x3F800000, v7;
	v13 =	vadd.f32 v26, v13  }
0x8f: {  	v18 =	vnsel vm7, $0x0, v18;
	v14 =	vnsel vm6, $0x0, v14;
	v16 =	vadd.f32 v24, v16  }
0x90: {  	v10 =	vnsel vm4, $0x0, v10;
	v8 =	vadd.f32 v8, v22;
	v22 =	vadd.f32 v25, v23  }
0x91: {  	v18 =	vadd.f32 v18, v20;
	v20 =	vsel vm4, $0x3F800000, v7;
	v14 =	vadd.f32 v14, v19  }
0x92: {  	v25 =	vsel vm2, $0x3F800000, v7;
	v10 =	vadd.f32 v10, v15;
	v20 =	vadd.f32 v20, v21  }
0x93: {  	v23 =	vsel vm5, $0x3F800000, v7;
	v11 =	vadd.f32 v11, v16;
	v8 =	vadd.f32 v25, v8  }
0x94: {  	v25 =	vsel vm3, $0x3F800000, v7;
	v22 =	vadd.f32 v23, v22;
	v17 =	vadd.f32 v17, v18  }
0x95: {  	v18 =	vsel vm1, $0x3F800000, v7;
	v9 =	vadd.f32 v9, v14;
	v10 =	vadd.f32 v12, v10  }
0x96: {  	v13 =	vadd.f32 v25, v13;
	v15 =	vadd.f32 v18, v20  }
0x97: {  	v9 =	vadd.f32 v9, v17;
	v10 =	vadd.f32 v11, v10  }
0x98: {  	v8 =	vadd.f32 v13, v8;
	v12 =	vadd.f32 v22, v15;
	_ =	sdelay $0x1  }
0x99: {  	v9 =	vadd.f32 v10, v9;
	v8 =	vadd.f32 v12, v8;
	_ =	sdelay $0x1  }
0x9a: {  	v11 =	vperm.xlane v9, v3;
	v10 =	vperm.xlane v8, v3;
	_ =	sdelay $0x1  }
0x9b: {  	v9 =	vadd.f32 v11, v9;
	v8 =	vadd.f32 v10, v8;
	_ =	sdelay $0x1  }
0x9c: {  	_ =	swait.ge [sflag:s11], $0x8000;
	v11 =	vperm.xlane v9, v4;
	v10 =	vperm.xlane v8, v4  }
0x9d: {  	[sflag:s11] =	ssyncset.done $0x0  }
0x9e: {  	s16 =	simm.s32 $0x0;
	[sflag:s11] =	ssyncadd.s32 $0xFFFF8000;
	v8 =	vadd.f32 v10, v8;
	v10 =	vadd.f32 v11, v9  }
0x9f: {  	v21 =	vld [tilespmem:s16+$0x8010]  }
0xa0: {  	v15 =	vld [tilespmem:s16+$0x8050];
	v9 =	vperm.xlane v8, v5;
	v11 =	vperm.xlane v10, v5  }
0xa1: {  	v24 =	vimm.f32 $+Inf;
	v19 =	vimm.f32 $-Inf;
	v16 =	vimm.f32 $-Inf;
	v25 =	vld [tilespmem:s16+$0x8000]  }
0xa2: {  	v23 =	vimm.f32 $+Inf;
	v12 =	vld [tilespmem:s16+$0x8040];
	v9 =	vadd.f32 v9, v8;
	v8 =	vadd.f32 v11, v10  }
0xa3: {  	v18 =	vimm.f32 $+Inf;
	v20 =	vimm.f32 $+Inf;
	v17 =	vimm.f32 $-Inf;
	v13 =	vld [tilespmem:s16+$0x8020]  }
0xa4: {  	s17 =	simm.s32 $0x200;
	v14 =	vld [tilespmem:s16+$0x8060];
	v22 =	vimm.f32 $-Inf;
	v11 =	vperm.xlane v9, v6;
	v10 =	vperm.xlane v8, v6  }
.LBB2_10:
0xa5: {  	p0 =	sne.s32 s17, $0x1FE00;
	v26 =	vld [tilespmem:s16+$0x8030];
	v27 =	vmov v15  }
0xa6: {  	v15 =	vmin.f32 v18, v25;
	v19 =	vmax.f32 v19, v25;
	v28 =	vld [tilespmem:s16+$0x8070];
	s16 =	sshra.s32 s17, $0x2  }
0xa7: {  	v18 =	vmin.f32 v15, v12;
	v19 =	vmax.f32 v19, v12;
	v12 =	vld [tilespmem:s16+$0x8040]  }
.Ltmp4:
0xa8: {  	v20 =	vmin.f32 v20, v21;
	v21 =	vmax.f32 v22, v21;
	v15 =	vld [tilespmem:s16+$0x8050];
	v23 =	vmin.f32 v23, v13;
	(pc) =	sbr.rel @p0 .LBB2_10-.Ltmp4, $4  }
0xa9: {  	v20 =	vmin.f32 v20, v27;
	v22 =	vmax.f32 v21, v27;
	v25 =	vld [tilespmem:s16+$0x8000];
	v23 =	vmin.f32 v23, v14  }
0xaa: {  	v16 =	vmax.f32 v16, v13;
	v21 =	vld [tilespmem:s16+$0x8010];
	v24 =	vmin.f32 v24, v26;
	v17 =	vmax.f32 v17, v26  }
0xab: {  	v16 =	vmax.f32 v16, v14;
	v13 =	vld [tilespmem:s16+$0x8020];
	v24 =	vmin.f32 v24, v28;
	v17 =	vmax.f32 v17, v28  }
0xac: {  	s17 =	sadd.s32 $0x200, s17;
	v14 =	vld [tilespmem:s16+$0x8060]  }
0xad: {  	v26 =	vld [tilespmem:s16+$0x8030]  }
0xae: {  	v27 =	vld [tilespmem:s16+$0x8070];
	_ =	sdelay $0x1  }
0xaf: {  	v18 =	vmin.f32 v18, v25;
	v19 =	vmax.f32 v19, v25  }
0xb0: {  	v18 =	vmin.f32 v18, v12;
	v49 =	vmax.f32 v19, v12;
	v50 =	vmin.f32 v20, v21  }
0xb1: {  	v51 =	vmax.f32 v22, v21;
	v52 =	vmin.f32 v23, v13;
	v53 =	vmin.f32 v24, v26  }
0xb2: {  	v19 =	vmin.f32 v50, v15;
	v21 =	vmin.f32 v52, v14;
	v22 =	vmin.f32 v53, v27  }
0xb3: {  	v54 =	vmax.f32 v51, v15;
	v18 =	vmin.f32 v18, v19;
	v55 =	vmin.f32 v21, v22  }
0xb4: {  	v56 =	vmax.f32 v16, v13;
	v57 =	vmax.f32 v17, v26;
	v58 =	vmin.f32 v18, v55  }
0xb5: {  	v13 =	vmax.f32 v56, v14;
	v59 =	vmax.f32 v57, v27;
	v60 =	vsub.f32 $0.0e+00, v58  }
0xb6: {  	v12 =	vmax.f32 v49, v54;
	v13 =	vmax.f32 v13, v59  }
0xb7: {  	v12 =	vmax.f32 v12, v13;
	v61 =	vperm.xlane v60, v3  }
0xb8: {  	v62 =	vperm.xlane v12, v3  }
0xb9: {  	v13 =	vmax.f32 v60, v61  }
0xba: {  	v12 =	vmax.f32 v12, v62;
	v63 =	vperm.xlane v13, v4  }
0xbb: {  	v14 =	vperm.xlane v12, v4  }
0xbc: {  	v13 =	vmax.f32 v13, v63  }
0xbd: {  	v12 =	vmax.f32 v12, v14;
	v15 =	vperm.xlane v13, v5  }
0xbe: {  	v14 =	vperm.xlane v12, v5  }
0xbf: {  	v13 =	vmax.f32 v13, v15  }
0xc0: {  	v12 =	vmax.f32 v12, v14;
	v15 =	vperm.xlane v13, v6  }
0xc1: {  	v14 =	vperm.xlane v12, v6  }
0xc2: {  	v13 =	vmax.f32 v13, v15  }
0xc3: {  	v12 =	vmax.f32 v12, v14;
	(v2sf) =	vpush v13, $0x0  }
0xc4: {  	(v2sf) =	vpush v12, $0x0;
	_ =	sdelay $0xd  }
0xc5: {  	s31 =	spop (v2sf)  }
0xc6: {  	s18 =	simm.s32 $0x0;
	s17 =	ssub.f32 $0.0e+00, s31;
	s19 =	spop (v2sf)  }
.LBB2_12:
0xc7: {  	s21 =	simm.s32 $0x0  }
0xc8: {  	v13 =	vld [tilespmem:s21+$0x8000]  }
0xc9: {  	s20 =	smul.f32 $5.000000000e-01, s19;
	v14 =	vld [tilespmem:s21+$0x8070]  }
0xca: {  	s16 =	smul.f32 $5.000000000e-01, s17;
	v16 =	vld [tilespmem:s21+$0x8030]  }
0xcb: {  	v15 =	vld [tilespmem:s21+$0x8020]  }
0xcc: {  	v17 =	vld [tilespmem:s21+$0x8040];
	s16 =	sadd.f32 s20, s16  }
0xcd: {  	v18 =	vld [tilespmem:s21+$0x8050]  }
0xce: {  	v19 =	vld [tilespmem:s21+$0x8010];
	v12 =	vmov s16  }
0xcf: {  	v23 =	vimm.f32 $0.0e+00;
	v20 =	vld [tilespmem:s21+$0x8060];
	s20 =	simm.s32 $0x80;
	vm1 =	vgt.f32 v13, v12;
	vm2 =	vgt.f32 v16, v12  }
0xd0: {  	v22 =	vld [tilespmem:s20+$0x8000];
	vm3 =	vgt.f32 v15, v12;
	v13 =	vsel vm1, $0x3F800000, v7;
	vm1 =	vgt.f32 v14, v12  }
0xd1: {  	v25 =	vld [tilespmem:s20+$0x8070];
	v16 =	vsel vm2, $0x3F800000, v7;
	vm2 =	vgt.f32 v17, v12;
	v26 =	vsel vm3, $0x3F800000, v7  }
0xd2: {  	v21 =	vadd.f32 v13, v23;
	v14 =	vsel vm1, $0x3F800000, v7;
	v13 =	vld [tilespmem:s20+$0x8020];
	v16 =	vadd.f32 v16, v23  }
0xd3: {  	v17 =	vld [tilespmem:s20+$0x8030];
	v24 =	vsel vm2, $0x3F800000, v7;
	vm1 =	vgt.f32 v18, v12;
	vm2 =	vgt.f32 v19, v12  }
0xd4: {  	v18 =	vld [tilespmem:s20+$0x8040];
	v19 =	vadd.f32 v24, v21;
	v24 =	vsel vm2, $0x3F800000, v7;
	v21 =	vsel vm1, $0x3F800000, v7  }
0xd5: {  	v15 =	vld [tilespmem:s20+$0x8050];
	vm1 =	vgt.f32 v22, v12;
	vm2 =	vgt.f32 v20, v12;
	v24 =	vadd.f32 v24, v23  }
0xd6: {  	s21 =	simm.s32 $0x400;
	v20 =	vld [tilespmem:s20+$0x8010];
	v22 =	vsel vm1, $0x3F800000, v7;
	vm1 =	vgt.f32 v25, v12;
	v23 =	vadd.f32 v26, v23  }
.LBB2_13:
0xd7: {  	p0 =	sne.s32 s21, $0x1FE00;
	v25 =	vld [tilespmem:s20+$0x8060];
	s20 =	sshra.s32 s21, $0x2;
	s21 =	sadd.s32 $0x200, s21;
	v24 =	vadd.f32 v21, v24;
	v21 =	vsel vm2, $0x3F800000, v7;
	v16 =	vadd.f32 v14, v16;
	v26 =	vmovc v13  }
0xd8: {  	v19 =	vadd.f32 v22, v19;
	v27 =	vld [tilespmem:s20+$0x8000];
	vm2 =	vgt.f32 v17, v12;
	v23 =	vadd.f32 v21, v23  }
0xd9: {  	v14 =	vsel vm1, $0x3F800000, v7;
	v28 =	vld [tilespmem:s20+$0x8070];
	v17 =	vsel vm2, $0x3F800000, v7;
	vm2 =	vgt.f32 v18, v12  }
.Ltmp5:
0xda: {  	v13 =	vld [tilespmem:s20+$0x8020];
	v16 =	vadd.f32 v17, v16;
	v18 =	vsel vm2, $0x3F800000, v7;
	vm1 =	vgt.f32 v15, v12;
	(pc) =	sbr.rel @p0 .LBB2_13-.Ltmp5, $4  }
0xdb: {  	vm3 =	vgt.f32 v26, v12;
	v17 =	vld [tilespmem:s20+$0x8030];
	vm2 =	vgt.f32 v20, v12;
	v19 =	vadd.f32 v18, v19  }
0xdc: {  	v26 =	vsel vm3, $0x3F800000, v7;
	v21 =	vsel vm1, $0x3F800000, v7;
	v18 =	vld [tilespmem:s20+$0x8040];
	v20 =	vsel vm2, $0x3F800000, v7  }
0xdd: {  	vm2 =	vgt.f32 v25, v12;
	vm1 =	vgt.f32 v27, v12;
	v15 =	vld [tilespmem:s20+$0x8050];
	v24 =	vadd.f32 v20, v24  }
0xde: {  	v23 =	vadd.f32 v26, v23;
	v22 =	vsel vm1, $0x3F800000, v7;
	v20 =	vld [tilespmem:s20+$0x8010];
	vm1 =	vgt.f32 v28, v12  }
0xdf: {  	v21 =	vadd.f32 v21, v24;
	v52 =	vsel vm2, $0x3F800000, v7  }
0xe0: {  	v25 =	vld [tilespmem:s20+$0x8060];
	v14 =	vadd.f32 v14, v16;
	v53 =	vadd.f32 v22, v19;
	vm2 =	vgt.f32 v17, v12  }
0xe1: {  	v56 =	vsel vm1, $0x3F800000, v7;
	v55 =	vsel vm2, $0x3F800000, v7;
	vm2 =	vgt.f32 v18, v12  }
0xe2: {  	v54 =	vadd.f32 v52, v23;
	v57 =	vsel vm2, $0x3F800000, v7;
	vm2 =	vgt.f32 v13, v12  }
0xe3: {  	v14 =	vadd.f32 v55, v14;
	vm1 =	vgt.f32 v20, v12;
	v59 =	vsel vm2, $0x3F800000, v7  }
0xe4: {  	v58 =	vsel vm1, $0x3F800000, v7;
	vm1 =	vgt.f32 v15, v12;
	v61 =	vadd.f32 v59, v54  }
0xe5: {  	v13 =	vadd.f32 v58, v21;
	v60 =	vsel vm1, $0x3F800000, v7;
	vm1 =	vgt.f32 v25, v12  }
0xe6: {  	v62 =	vadd.f32 v57, v53;
	v14 =	vadd.f32 v56, v14;
	v63 =	vsel vm1, $0x3F800000, v7  }
0xe7: {  	v13 =	vadd.f32 v60, v13;
	v12 =	vadd.f32 v63, v61;
	_ =	sdelay $0x1  }
0xe8: {  	v13 =	vadd.f32 v13, v62;
	v12 =	vadd.f32 v14, v12;
	_ =	sdelay $0x1  }
0xe9: {  	v12 =	vadd.f32 v12, v13;
	_ =	sdelay $0x1  }
0xea: {  	v13 =	vperm.xlane v12, v3;
	_ =	sdelay $0x1  }
0xeb: {  	v12 =	vadd.f32 v13, v12;
	_ =	sdelay $0x1  }
0xec: {  	v13 =	vperm.xlane v12, v0;
	_ =	sdelay $0x1  }
0xed: {  	v12 =	vadd.f32 v13, v12;
	_ =	sdelay $0x1  }
0xee: {  	v13 =	vperm.xlane v12, v1;
	_ =	sdelay $0x1  }
0xef: {  	v12 =	vadd.f32 v13, v12;
	_ =	sdelay $0x1  }
0xf0: {  	v13 =	vperm.xlane v12, v2;
	_ =	sdelay $0x1  }
0xf1: {  	v12 =	vadd.f32 v13, v12;
	_ =	sdelay $0x1  }
0xf2: {  	(v2sf) =	vpush v12, $0x0;
	_ =	sdelay $0xe  }
0xf3: {  	s31 =	spop (v2sf)  }
0xf4: {  	p0 =	sge.f32 s31, $8.192000000e+03  }
0xf5: {  	s18 =	sadd.s32 $0x1, s18  }
0xf6: {  	s17 =	smov.u32 @p0 s16;
	s16 =	smov.u32 @p0 s19;
	p0 =	seq.s32 s18, $0x18  }
.Ltmp6:
0xf7: {  	_ = 	snop;
	(pc) =	sbr.rel @!p0 .LBB2_12-.Ltmp6, $2  }
0xf8: {  	_ =	sdelay $0x2  }
0xf9: {  	s19 =	smov.u32 s16  }
0xfa: {  	s17 =	simm.s32 $0x0  }
0xfb: {  	v12 =	vld [tilespmem:s17+$0x8050]  }
0xfc: {  	v16 =	vld [tilespmem:s17+$0x8040]  }
0xfd: {  	v18 =	vld [tilespmem:s17+$0x8060]  }
0xfe: {  	v14 =	vld [tilespmem:s17+$0x8070]  }
0xff: {  	v20 =	vld [tilespmem:s17+$0x8030]  }
0x100: {  	v24 =	vld [tilespmem:s17+$0x8010]  }
0x101: {  	v21 =	vld [tilespmem:s17+$0x8000]  }
0x102: {  	v15 =	vld [tilespmem:s17+$0x8020]  }
0x103: {  	v13 =	vmov s16;
	v17 =	vimm.f32 $0.0e+00;
	v25 =	vimm.f32 $0.0e+00  }
0x104: {  	v26 =	vimm.f32 $0.0e+00;
	v23 =	vimm.f32 $0.0e+00;
	v27 =	vimm.f32 $0.0e+00  }
0x105: {  	v22 =	vimm.f32 $0.0e+00;
	vm2 =	vgt.f32 v16, v13;
	vm1 =	vgt.f32 v18, v13  }
0x106: {  	vm3 =	vgt.f32 v12, v13;
	vm5 =	vgt.f32 v14, v13;
	vm8 =	vgt.f32 v20, v13  }
0x107: {  	vm7 =	vgt.f32 v24, v13;
	vm6 =	vgt.f32 v21, v13;
	vm4 =	vgt.f32 v15, v13  }
0x108: {  	v12 =	vnsel vm3, $0x0, v12;
	v14 =	vnsel vm5, $0x0, v14;
	v29 =	vsel vm8, $0x3F800000, v7  }
0x109: {  	v19 =	vnsel vm2, $0x0, v16;
	v30 =	vsel vm7, $0x3F800000, v7;
	v16 =	vnsel vm1, $0x0, v18  }
0x10a: {  	s17 =	simm.s32 $0x200;
	v28 =	vnsel vm8, $0x0, v20;
	v20 =	vimm.f32 $0.0e+00;
	v18 =	vimm.f32 $0.0e+00  }
.LBB2_16:
0x10b: {  	s18 =	sshra.s32 s17, $0x2;
	p0 =	sne.s32 s17, $0x1FE00;
	s17 =	sadd.s32 $0x200, s17;
	v31 =	vsel vm6, $0x3F800000, v7;
	v17 =	vadd.f32 v30, v17;
	v30 =	vnsel vm7, $0x0, v24  }
0x10c: {  	v26 =	vadd.f32 v29, v26;
	v29 =	vsel vm5, $0x3F800000, v7;
	v32 =	vld [tilespmem:s18+$0x8050];
	v24 =	vadd.f32 v31, v25  }
0x10d: {  	v21 =	vnsel vm6, $0x0, v21;
	v25 =	vsel vm2, $0x3F800000, v7;
	v31 =	vld [tilespmem:s18+$0x8040]  }
0x10e: {  	v26 =	vadd.f32 v29, v26;
	v33 =	vld [tilespmem:s18+$0x8060];
	v25 =	vadd.f32 v25, v24;
	v24 =	vsel vm3, $0x3F800000, v7  }
0x10f: {  	v21 =	vadd.f32 v21, v23;
	v23 =	vsel vm4, $0x3F800000, v7;
	v29 =	vld [tilespmem:s18+$0x8070];
	v17 =	vadd.f32 v24, v17  }
0x110: {  	v15 =	vnsel vm4, $0x0, v15;
	v22 =	vadd.f32 v28, v22;
	v27 =	vadd.f32 v23, v27;
	v34 =	vld [tilespmem:s18+$0x8030]  }
0x111: {  	v20 =	vadd.f32 v30, v20;
	v23 =	vadd.f32 v19, v21;
	v19 =	vsel vm1, $0x3F800000, v7;
	v24 =	vld [tilespmem:s18+$0x8010]  }
0x112: {  	v18 =	vadd.f32 v15, v18;
	v22 =	vadd.f32 v14, v22;
	v21 =	vld [tilespmem:s18+$0x8000];
	vm2 =	vgt.f32 v31, v13  }
0x113: {  	v20 =	vadd.f32 v12, v20;
	v27 =	vadd.f32 v19, v27;
	v15 =	vld [tilespmem:s18+$0x8020];
	vm1 =	vgt.f32 v33, v13  }
.Ltmp7:
0x114: {  	v18 =	vadd.f32 v16, v18;
	vm3 =	vgt.f32 v32, v13;
	vm5 =	vgt.f32 v29, v13;
	(pc) =	sbr.rel @p0 .LBB2_16-.Ltmp7, $4  }
0x115: {  	v12 =	vnsel vm3, $0x0, v32;
	vm8 =	vgt.f32 v34, v13;
	v14 =	vnsel vm5, $0x0, v29  }
0x116: {  	v19 =	vnsel vm2, $0x0, v31;
	vm7 =	vgt.f32 v24, v13;
	v29 =	vsel vm8, $0x3F800000, v7  }
0x117: {  	v16 =	vnsel vm1, $0x0, v33;
	vm6 =	vgt.f32 v21, v13;
	v30 =	vsel vm7, $0x3F800000, v7  }
0x118: {  	v28 =	vnsel vm8, $0x0, v34;
	vm4 =	vgt.f32 v15, v13  }
0x119: {  	v13 =	vsel vm6, $0x3F800000, v7;
	v17 =	vadd.f32 v30, v17  }
0x11a: {  	v24 =	vnsel vm7, $0x0, v24;
	v49 =	vadd.f32 v29, v26;
	v50 =	vsel vm5, $0x3F800000, v7  }
0x11b: {  	v21 =	vnsel vm6, $0x0, v21;
	v51 =	vsel vm2, $0x3F800000, v7;
	v22 =	vadd.f32 v28, v22  }
0x11c: {  	v52 =	vsel vm4, $0x3F800000, v7;
	v13 =	vadd.f32 v13, v25;
	v21 =	vadd.f32 v21, v23  }
0x11d: {  	v53 =	vsel vm3, $0x3F800000, v7;
	v54 =	vadd.f32 v52, v27;
	v20 =	vadd.f32 v24, v20  }
0x11e: {  	v55 =	vsel vm1, $0x3F800000, v7;
	v25 =	vadd.f32 v50, v49;
	v17 =	vadd.f32 v53, v17  }
0x11f: {  	v15 =	vnsel vm4, $0x0, v15;
	v13 =	vadd.f32 v51, v13;
	v23 =	vadd.f32 v55, v54  }
0x120: {  	v15 =	vadd.f32 v15, v18;
	v14 =	vadd.f32 v14, v22  }
0x121: {  	v13 =	vadd.f32 v17, v13;
	v56 =	vadd.f32 v25, v23  }
0x122: {  	v19 =	vadd.f32 v19, v21;
	v12 =	vadd.f32 v12, v20  }
0x123: {  	v15 =	vadd.f32 v16, v15;
	v13 =	vadd.f32 v56, v13;
	_ =	sdelay $0x1  }
0x124: {  	v12 =	vadd.f32 v12, v19;
	v14 =	vadd.f32 v14, v15;
	v57 =	vperm.xlane v13, v3;
	_ =	sdelay $0x1  }
0x125: {  	v12 =	vadd.f32 v14, v12;
	v13 =	vadd.f32 v57, v13;
	_ =	sdelay $0x1  }
0x126: {  	v59 =	vperm.xlane v12, v3;
	v58 =	vperm.xlane v13, v4;
	_ =	sdelay $0x1  }
0x127: {  	v12 =	vadd.f32 v59, v12;
	v13 =	vadd.f32 v58, v13;
	_ =	sdelay $0x1  }
0x128: {  	v15 =	vperm.xlane v12, v4;
	v14 =	vperm.xlane v13, v5;
	_ =	sdelay $0x1  }
0x129: {  	v12 =	vadd.f32 v15, v12;
	v13 =	vadd.f32 v14, v13  }
0x12a: {  	v9 =	vadd.f32 v11, v9  }
0x12b: {  	v61 =	vperm.xlane v12, v5;
	v60 =	vperm.xlane v13, v6  }
0x12c: {  	v8 =	vadd.f32 v10, v8;
	(v2sf) =	vpush v9, $0x0  }
0x12d: {  	v63 =	vadd.f32 v61, v12;
	v62 =	vadd.f32 v60, v13  }
0x12e: {  	(v2sf) =	vpush v8, $0x0  }
0x12f: {  	v8 =	vperm.xlane v63, v6;
	(v2sf) =	vpush v62, $0x0;
	_ =	sdelay $0x1  }
0x130: {  	v8 =	vadd.f32 v8, v63;
	_ =	sdelay $0x1  }
0x131: {  	(v2sf) =	vpush v8, $0x0;
	_ =	sdelay $0x7  }
0x132: {  	s17 =	spop (v2sf)  }
0x133: {  	s17 =	ssub.f32 $8.192000000e+03, s17  }
0x134: {  	s18 =	spop (v2sf)  }
0x135: {  	s15 =	smul.f32 s17, s15;
	s30 =	spop (v2sf)  }
0x136: {  	s17 =	ssub.f32 $8.192000000e+03, s30  }
0x137: {  	s15 =	sadd.f32 s18, s15  }
0x138: {  	s16 =	smul.f32 s17, s16  }
0x139: {  	s15 =	sadd.f32 $0.0e+00, s15;
	s31 =	spop (v2sf)  }
0x13a: {  	s16 =	sadd.f32 s31, s16;
	_ =	sdelay $0x1  }
0x13b: {  	s15 =	sadd.f32 s16, s15;
	_ =	sdelay $0x1  }
0x13c: {  	s14 =	sadd.s32 $0x1, s14;
	v8 =	vmov s15  }
0x13d: {  	p0 =	sne.s32 s14, s6;
	v8 =	vnsel vm0, $0x0, v8  }
.Ltmp8:
0x13e: {  	[tilespmem:$0x10000] =	vst v8;
	(pc) =	sbr.rel @p0 .LBB2_1-.Ltmp8, $4  }
0x13f: {  	[hbm4b:s5+s2] =	stream.linear.scatter [tilespmem:s12], [sflag:$0x3], $0x80, $0x38;
	[tilespmem:$0x10080] =	vst v63  }
0x140: {  	_ =	swait.ge [sflag:s13], $0x80  }
0x141: {  	[sflag:s13] =	ssyncset.done $0x0  }
0x142: {  	[sflag:s13] =	ssyncadd.s32 $0xFFFFFF80  }
0x143: {  	_ =	sfence.sel $0x180000  }
0x144: {  	[bflag:$0x0] =	sbarrier.arrive $0xFFFF  }
0x145: {  	p0 =	sne.s32 s0, $0x0;
	_ =	strace $0x90000047  }
0x146: {  	s0 =	sadd.s32 @!p0 $0x100000, s1;
	[bflag:$0x2] =	sbarrier.arrive $0xFFFF  }
0x147: {  	[sflag:s0] =	ssyncadd.tile.s32 @!p0 $0x1;
	_ =	shalt  }
.Lfunc_end2:
_tile_overlayer_lowered:
.L_overlay_start_2:
0x148: {  	(tag) =	ssettag $0x2  }
0x149: {  	s0 =	rddreg [dreg:$0x0];
	s2 =	stileid.u32  }
0x14a: {  	s1 =	rddreg [dreg:$0x1];
	p0 =	sne.s32 s2, $0x0  }
0x14b: {  	s3 =	rddreg [dreg:$0x2];
	[bflag:$0x3] =	sbarrier.arrive $0xFFFF;
	s2 =	simm.s32 @!p0 $0x1C03  }
0x14c: {  	[timem:s3], [sflag:s2] =	dma.local @!p0 [hbm:s0], s1  }
0x14d: {  	s0 =	simm.s32 @!p0 $0x3  }
0x14e: {  	_ =	swait.ge @!p0 [sflag:s0], s1  }
0x14f: {  	s1 =	ssub.s32 @!p0 $0x0, s1;
	[sflag:s0] =	ssyncset.done @!p0 $0x0  }
0x150: {  	[sflag:s0] =	ssyncadd.s32 @!p0 s1  }
0x151: {  	[bflag:$0x3] =	sbarrier.arrive $0xFFFF  }
0x152: {  	_ =	shalt  }

</sc_bundles>
